<compile_context>
chip_gen: v7x
topology: tpu7x:2x2x1
jax: 0.10.2.dev20260603
libtpu: 0.0.44.dev20260713+nightly
codegen_flags: <defaults>
</compile_context>

<pallas_src>
import functools

import jax
import jax.numpy as jnp
from jax import lax
from jax.experimental import pallas as pl
from jax.experimental.pallas import tpu as pltpu
from jax.experimental.pallas import tpu_sc as plsc

N_NODES = 10000
N_EDGES = 320000
HDIM = 128

NC = 2
NS = 16
NW = NC * NS
CHUNK = 64
EDGES_PER_W = 10240
CHUNKS_PER_W = EDGES_PER_W // CHUNK
E_PAD = NW * EDGES_PER_W
ACC_ROWS = 10112
ZCHUNK = ACC_ROWS // NS


def _sc_segment_sum(h2, src2d, dst2d, zeros):
    mesh = plsc.VectorSubcoreMesh(core_axis_name="c", subcore_axis_name="s")

    K = 2
    HALF = CHUNKS_PER_W // 4
    ROUNDS = HALF // K

    @functools.partial(
        pl.kernel,
        out_type=jax.ShapeDtypeStruct((NC, ACC_ROWS, HDIM), jnp.float32),
        mesh=mesh,
        scratch_types=(
            [pltpu.VMEM((HALF, CHUNK), jnp.int32),
             pltpu.VMEM((HALF, CHUNK), jnp.int32)]
            + [pltpu.VMEM((CHUNK, 2 * HDIM), jnp.float32) for _ in range(K)]
            + [pltpu.VMEM_SHARED((ACC_ROWS, HDIM), jnp.float32)]
            + [pltpu.SemaphoreType.DMA for _ in range(2 * K)]
        ),
    )
    def sc_kernel(h_hbm, src_hbm, dst_hbm, z_hbm, out_hbm, src_v, dst_v, *rest):
        bufs = rest[:K]
        acc = rest[K]
        gsem = rest[K + 1:2 * K + 1]
        cid = lax.axis_index("c")
        sid = lax.axis_index("s")
        wid = cid * NS + sid

        pltpu.sync_copy(z_hbm.at[pl.ds(sid * ZCHUNK, ZCHUNK)],
                        acc.at[pl.ds(sid * ZCHUNK, ZCHUNK)])

        for half in range(4):
            base = wid * CHUNKS_PER_W + half * HALF
            pltpu.sync_copy(src_hbm.at[pl.ds(base, HALF)], src_v)
            pltpu.sync_copy(dst_hbm.at[pl.ds(base, HALF)], dst_v)
            if half == 0:
                plsc.subcore_barrier()

            for b in range(K):
                pltpu.async_copy(h_hbm.at[src_v.at[b]], bufs[b], gsem[b])

            def round_body(t, carry):
                for b in range(K):
                    j = t * K + b
                    pltpu.make_async_copy(
                        h_hbm.at[src_v.at[j]], bufs[b], gsem[b]).wait()

                    @pl.when(j + K < HALF)
                    def _():
                        pltpu.async_copy(h_hbm.at[src_v.at[j + K]], bufs[b],
                                         gsem[b])
                return carry

            lax.fori_loop(0, ROUNDS, round_body, 0, unroll=False)

        plsc.subcore_barrier()
        pltpu.sync_copy(acc.at[pl.ds(sid * ZCHUNK, ZCHUNK)],
                        out_hbm.at[cid, pl.ds(sid * ZCHUNK, ZCHUNK)])

    return sc_kernel(h2, src2d, dst2d, zeros)


def _gru_body(x_ref, p_ref, wihT_ref, whhT_ref, bih_ref, bhh_ref, o_ref):
    red = p_ref[0] + p_ref[1]
    gi = jnp.dot(x_ref[...], wihT_ref[...], preferred_element_type=jnp.float32)
    gi = gi + bih_ref[...]
    gh = jnp.dot(red, whhT_ref[...], preferred_element_type=jnp.float32)
    gh = gh + bhh_ref[...]
    H = HDIM
    r = jax.nn.sigmoid(gi[:, :H] + gh[:, :H])
    z = jax.nn.sigmoid(gi[:, H:2 * H] + gh[:, H:2 * H])
    n = jnp.tanh(gi[:, 2 * H:] + r * gh[:, 2 * H:])
    o_ref[...] = (1.0 - z) * n + z * red


def _gru_apply(x, partials, wihT, whhT, bih2, bhh2):
    BLK = 1000
    grid = N_NODES // BLK
    return pl.pallas_call(
        _gru_body,
        grid=(grid,),
        in_specs=[
            pl.BlockSpec((BLK, HDIM), lambda i: (i, 0)),
            pl.BlockSpec((NC, BLK, HDIM), lambda i: (0, i, 0)),
            pl.BlockSpec((HDIM, 3 * HDIM), lambda i: (0, 0)),
            pl.BlockSpec((HDIM, 3 * HDIM), lambda i: (0, 0)),
            pl.BlockSpec((1, 3 * HDIM), lambda i: (0, 0)),
            pl.BlockSpec((1, 3 * HDIM), lambda i: (0, 0)),
        ],
        out_specs=pl.BlockSpec((BLK, HDIM), lambda i: (i, 0)),
        out_shape=jax.ShapeDtypeStruct((N_NODES, HDIM), jnp.float32),
    )(x, partials, wihT, whhT, bih2, bhh2)


def kernel(x, h, edge_index, W_ih, W_hh, b_ih, b_hh):
    src = edge_index[0].astype(jnp.int32)
    dst = edge_index[1].astype(jnp.int32)
    pad = E_PAD - N_EDGES
    src_p = jnp.concatenate([src, jnp.zeros((pad,), jnp.int32)]).reshape(
        NW * CHUNKS_PER_W, CHUNK)
    dst_p = jnp.concatenate([dst, jnp.full((pad,), N_NODES, jnp.int32)]).reshape(
        NW * CHUNKS_PER_W, CHUNK)
    zeros = jnp.zeros((ACC_ROWS, HDIM), jnp.float32)
    h2 = jnp.concatenate([h, h], axis=1)

    partials = _sc_segment_sum(h2, src_p, dst_p, zeros)

    return _gru_apply(x, partials, W_ih.T, W_hh.T,
                      b_ih.reshape(1, -1), b_hh.reshape(1, -1))

# --- scband reference (transcript-rebuilt; emitter-appended) ---
"""Pipeline reference for scband-grugnn-59210419143209 (READ-ONLY COPY).

The authoritative reference and input builder live on the scoring server;
editing this copy changes nothing except your own understanding.
"""

import jax, jax.numpy as jnp
import numpy as np

N_NODES = 10000
N_EDGES = 320000
INDIM = 128
HDIM = 128


def setup_inputs(seed: int = 0) -> dict:
    key = jax.random.key(seed)
    k_x, k_h, k_e, k_wih, k_whh, k_bih, k_bhh = jax.random.split(key, 7)
    x = jax.random.normal(k_x, (N_NODES, INDIM), dtype=jnp.float32)
    h = jax.random.normal(k_h, (N_NODES, HDIM), dtype=jnp.float32)
    edge_index = jax.random.randint(k_e, (2, N_EDGES), 0, N_NODES, dtype=jnp.int64)
    # GRUCell parameters (PyTorch layout: [3*hdim, in] with gate order r, z, n)
    stdv = 1.0 / np.sqrt(HDIM)
    W_ih = jax.random.uniform(k_wih, (3 * HDIM, INDIM), dtype=jnp.float32, minval=-stdv, maxval=stdv)
    W_hh = jax.random.uniform(k_whh, (3 * HDIM, HDIM), dtype=jnp.float32, minval=-stdv, maxval=stdv)
    b_ih = jax.random.uniform(k_bih, (3 * HDIM,), dtype=jnp.float32, minval=-stdv, maxval=stdv)
    b_hh = jax.random.uniform(k_bhh, (3 * HDIM,), dtype=jnp.float32, minval=-stdv, maxval=stdv)
    return {"x": x, "h": h, "edge_index": edge_index, "W_ih": W_ih, "W_hh": W_hh, "b_ih": b_ih, "b_hh": b_hh}


def reference(x, h, edge_index, W_ih, W_hh, b_ih, b_hh):
    # message: msg = h[src]; reduce: red[dst] = sum of incoming msgs (scatter-add)
    src = edge_index[0]
    dst = edge_index[1]
    msg = jnp.take(h, src, axis=0)                      # gather  [E, HDIM]
    red = jnp.zeros((x.shape[0], h.shape[1]), dtype=h.dtype).at[dst].add(msg)  # scatter-add
    # apply_node_func: h_new = GRUCell(dropout(x), red); dropout p=0.0 -> identity
    gi = x @ W_ih.T + b_ih                              # [N, 3H]
    gh = red @ W_hh.T + b_hh                            # [N, 3H]
    i_r, i_z, i_n = jnp.split(gi, 3, axis=1)
    h_r, h_z, h_n = jnp.split(gh, 3, axis=1)
    r = jax.nn.sigmoid(i_r + h_r)
    z = jax.nn.sigmoid(i_z + h_z)
    n = jnp.tanh(i_n + r * h_n)
    h_new = (1.0 - z) * n + z * red
    return h_new

if __name__ == "__main__":
    import jax
    _d = setup_inputs()
    print(jax.jit(kernel)(*tuple(_d.values())))

</pallas_src>

<mosaic_0001>
#map = affine_map<(d0, d1) -> (0, 0)>
#map1 = affine_map<(d0, d1) -> (0, 0, 0)>
module attributes {stable_mosaic.version = 14 : i64} {
  func.func @sc_kernel(%arg0: i32, %arg1: i32, %arg2: memref<10000x256xf32, #tpu.memory_space<hbm>>, %arg3: memref<5120x64xi32, #tpu.memory_space<hbm>>, %arg4: memref<5120x64xi32, #tpu.memory_space<hbm>>, %arg5: memref<10112x128xf32, #tpu.memory_space<hbm>>, %arg6: memref<2x10112x128xf32, #tpu.memory_space<hbm>>, %arg7: memref<40x64xi32, #tpu.memory_space<vmem>>, %arg8: memref<40x64xi32, #tpu.memory_space<vmem>>, %arg9: memref<64x256xf32, #tpu.memory_space<vmem>>, %arg10: memref<64x256xf32, #tpu.memory_space<vmem>>, %arg11: memref<10112x128xf32, #tpu.memory_space<vmem_shared>>, %arg12: memref<!tpu.dma_semaphore, #tpu.memory_space<semaphore_mem>>, %arg13: memref<!tpu.dma_semaphore, #tpu.memory_space<semaphore_mem>>, %arg14: memref<!tpu.dma_semaphore, #tpu.memory_space<semaphore_mem>>, %arg15: memref<!tpu.dma_semaphore, #tpu.memory_space<semaphore_mem>>) attributes {dimension_semantics = [#tpu.dimension_semantics<core_parallel>, #tpu.dimension_semantics<subcore_parallel>], iteration_bounds = array<i64: 2, 16>, scalar_prefetch = 0 : i64, scratch_operands = 9 : i64, tpu.core_type = #tpu.core_type<sc_vector_subcore>, window_params = [{transform_indices = #map}, {transform_indices = #map}, {transform_indices = #map}, {transform_indices = #map}, {transform_indices = #map1}]} {
    %mul3A = arith.constant 16 : i32
    %mul3A_0 = arith.muli %arg0, %mul3A : i32
    %add3A = arith.addi %mul3A_0, %arg1 : i32
    %mul3A_1 = arith.constant 632 : i32
    %mul3A_2 = arith.muli %arg1, %mul3A_1 : i32
    %mul3A_3 = arith.constant 632 : i32
    %mul3A_4 = arith.muli %arg1, %mul3A_3 : i32
    "tpu.region"() ({
      %run_scoped3A = tpu.sem_alloc : memref<!tpu.dma_semaphore, #tpu.memory_space<semaphore_mem>>
      %dma_start3A_104 = arith.constant 0 : i32
      %dma_start3A_105 = tpu.memref_slice %arg11[%mul3A_4, %dma_start3A_104] : memref<10112x128xf32, #tpu.memory_space<vmem_shared>> -> memref<632x128xf32, #tpu.memory_space<vmem_shared>>
      %dma_start3A_106 = arith.constant 0 : i32
      %dma_start3A_107 = tpu.memref_slice %arg5[%mul3A_2, %dma_start3A_106] : memref<10112x128xf32, #tpu.memory_space<hbm>> -> memref<632x128xf32, #tpu.memory_space<hbm>>
      tpu.enqueue_dma source(%dma_start3A_107 : memref<632x128xf32, #tpu.memory_space<hbm>>) target(%dma_start3A_105 : memref<632x128xf32, #tpu.memory_space<vmem_shared>>) target_semaphore(%run_scoped3A : memref<!tpu.dma_semaphore, #tpu.memory_space<semaphore_mem>>)
      %dma_wait3A = arith.constant 0 : i32
      %dma_wait3A_108 = tpu.memref_slice %arg11[%mul3A_4, %dma_wait3A] : memref<10112x128xf32, #tpu.memory_space<vmem_shared>> -> memref<632x128xf32, #tpu.memory_space<vmem_shared>>
      %dma_wait3A_109 = arith.constant 0 : i32
      %dma_wait3A_110 = tpu.memref_slice %arg5[%mul3A_2, %dma_wait3A_109] : memref<10112x128xf32, #tpu.memory_space<hbm>> -> memref<632x128xf32, #tpu.memory_space<hbm>>
      tpu.wait_dma2 semaphore(%run_scoped3A : memref<!tpu.dma_semaphore, #tpu.memory_space<semaphore_mem>>) src(%dma_wait3A_110 : memref<632x128xf32, #tpu.memory_space<hbm>>) dst(%dma_wait3A_108 : memref<632x128xf32, #tpu.memory_space<vmem_shared>>)
      tpu.yield
    }) : () -> ()
    %mul3A_5 = arith.constant 160 : i32
    %mul3A_6 = arith.muli %add3A, %mul3A_5 : i32
    %add3A_7 = arith.constant 0 : i32
    %add3A_8 = arith.addi %mul3A_6, %add3A_7 : i32
    "tpu.region"() ({
      %run_scoped3A = tpu.sem_alloc : memref<!tpu.dma_semaphore, #tpu.memory_space<semaphore_mem>>
      %dma_start3A_104 = arith.constant 0 : i32
      %dma_start3A_105 = tpu.memref_slice %arg3[%add3A_8, %dma_start3A_104] : memref<5120x64xi32, #tpu.memory_space<hbm>> -> memref<40x64xi32, #tpu.memory_space<hbm>>
      %dma_start3A_106 = arith.constant 0 : i32
      %dma_start3A_107 = tpu.memref_slice %arg3[%add3A_8, %dma_start3A_106] : memref<5120x64xi32, #tpu.memory_space<hbm>> -> memref<40x64xi32, #tpu.memory_space<hbm>>
      tpu.enqueue_dma source(%dma_start3A_107 : memref<40x64xi32, #tpu.memory_space<hbm>>) target(%arg7 : memref<40x64xi32, #tpu.memory_space<vmem>>) target_semaphore(%run_scoped3A : memref<!tpu.dma_semaphore, #tpu.memory_space<semaphore_mem>>)
      %dma_wait3A = arith.constant 0 : i32
      %dma_wait3A_108 = tpu.memref_slice %arg3[%add3A_8, %dma_wait3A] : memref<5120x64xi32, #tpu.memory_space<hbm>> -> memref<40x64xi32, #tpu.memory_space<hbm>>
      %dma_wait3A_109 = arith.constant 0 : i32
      %dma_wait3A_110 = tpu.memref_slice %arg3[%add3A_8, %dma_wait3A_109] : memref<5120x64xi32, #tpu.memory_space<hbm>> -> memref<40x64xi32, #tpu.memory_space<hbm>>
      tpu.wait_dma2 semaphore(%run_scoped3A : memref<!tpu.dma_semaphore, #tpu.memory_space<semaphore_mem>>) src(%dma_wait3A_110 : memref<40x64xi32, #tpu.memory_space<hbm>>) dst(%arg7 : memref<40x64xi32, #tpu.memory_space<vmem>>)
      tpu.yield
    }) : () -> ()
    "tpu.region"() ({
      %run_scoped3A = tpu.sem_alloc : memref<!tpu.dma_semaphore, #tpu.memory_space<semaphore_mem>>
      %dma_start3A_104 = arith.constant 0 : i32
      %dma_start3A_105 = tpu.memref_slice %arg4[%add3A_8, %dma_start3A_104] : memref<5120x64xi32, #tpu.memory_space<hbm>> -> memref<40x64xi32, #tpu.memory_space<hbm>>
      %dma_start3A_106 = arith.constant 0 : i32
      %dma_start3A_107 = tpu.memref_slice %arg4[%add3A_8, %dma_start3A_106] : memref<5120x64xi32, #tpu.memory_space<hbm>> -> memref<40x64xi32, #tpu.memory_space<hbm>>
      tpu.enqueue_dma source(%dma_start3A_107 : memref<40x64xi32, #tpu.memory_space<hbm>>) target(%arg8 : memref<40x64xi32, #tpu.memory_space<vmem>>) target_semaphore(%run_scoped3A : memref<!tpu.dma_semaphore, #tpu.memory_space<semaphore_mem>>)
      %dma_wait3A = arith.constant 0 : i32
      %dma_wait3A_108 = tpu.memref_slice %arg4[%add3A_8, %dma_wait3A] : memref<5120x64xi32, #tpu.memory_space<hbm>> -> memref<40x64xi32, #tpu.memory_space<hbm>>
      %dma_wait3A_109 = arith.constant 0 : i32
      %dma_wait3A_110 = tpu.memref_slice %arg4[%add3A_8, %dma_wait3A_109] : memref<5120x64xi32, #tpu.memory_space<hbm>> -> memref<40x64xi32, #tpu.memory_space<hbm>>
      tpu.wait_dma2 semaphore(%run_scoped3A : memref<!tpu.dma_semaphore, #tpu.memory_space<semaphore_mem>>) src(%dma_wait3A_110 : memref<40x64xi32, #tpu.memory_space<hbm>>) dst(%arg8 : memref<40x64xi32, #tpu.memory_space<vmem>>)
      tpu.yield
    }) : () -> ()
    %barrier3A = arith.constant 0 : index
    tpu.barrier barrier_id(%barrier3A)
    %dma_start3A = arith.constant 0 : i32
    %dma_start3A_9 = arith.constant 0 : i32
    %dma_start3A_10 = tpu.memref_slice %arg7[%dma_start3A, %dma_start3A_9] : memref<40x64xi32, #tpu.memory_space<vmem>> -> memref<1x64xi32, #tpu.memory_space<vmem>>
    %dma_start3A_11 = tpu.memref_squeeze %dma_start3A_10 : memref<1x64xi32, #tpu.memory_space<vmem>> -> memref<64xi32, #tpu.memory_space<vmem>>
    %dma_start3A_12 = arith.constant 0 : i32
    %dma_start3A_13 = arith.constant 0 : i32
    %dma_start3A_14 = tpu.memref_slice %arg2[%dma_start3A_12, %dma_start3A_13] : memref<10000x256xf32, #tpu.memory_space<hbm>> -> memref<10000x256xf32, #tpu.memory_space<hbm>>
    tpu.enqueue_indirect_dma source(%dma_start3A_14 : memref<10000x256xf32, #tpu.memory_space<hbm>>) target(%arg9 : memref<64x256xf32, #tpu.memory_space<vmem>>) offsets(%dma_start3A_11 : memref<64xi32, #tpu.memory_space<vmem>>) semaphore(%arg12 : memref<!tpu.dma_semaphore, #tpu.memory_space<semaphore_mem>>)
    %dma_start3A_15 = arith.constant 1 : i32
    %dma_start3A_16 = arith.constant 0 : i32
    %dma_start3A_17 = tpu.memref_slice %arg7[%dma_start3A_15, %dma_start3A_16] : memref<40x64xi32, #tpu.memory_space<vmem>> -> memref<1x64xi32, #tpu.memory_space<vmem>>
    %dma_start3A_18 = tpu.memref_squeeze %dma_start3A_17 : memref<1x64xi32, #tpu.memory_space<vmem>> -> memref<64xi32, #tpu.memory_space<vmem>>
    %dma_start3A_19 = arith.constant 0 : i32
    %dma_start3A_20 = arith.constant 0 : i32
    %dma_start3A_21 = tpu.memref_slice %arg2[%dma_start3A_19, %dma_start3A_20] : memref<10000x256xf32, #tpu.memory_space<hbm>> -> memref<10000x256xf32, #tpu.memory_space<hbm>>
    tpu.enqueue_indirect_dma source(%dma_start3A_21 : memref<10000x256xf32, #tpu.memory_space<hbm>>) target(%arg10 : memref<64x256xf32, #tpu.memory_space<vmem>>) offsets(%dma_start3A_18 : memref<64xi32, #tpu.memory_space<vmem>>) semaphore(%arg13 : memref<!tpu.dma_semaphore, #tpu.memory_space<semaphore_mem>>)
    %scan3A = arith.constant 0 : i32
    %scan3A_22 = arith.constant 0 : i32
    %scan3A_23 = arith.constant 20 : i32
    %scan3A_24 = arith.addi %scan3A_22, %scan3A_23 : i32
    %scan3A_25 = arith.constant 1 : i32
    scf.for %scan3A_104 = %scan3A_22 to %scan3A_24 step %scan3A_25  : i32 {
      %mul3A_105 = arith.constant 2 : i32
      %mul3A_106 = arith.muli %scan3A_104, %mul3A_105 : i32
      %add3A_107 = arith.constant 0 : i32
      %add3A_108 = arith.addi %mul3A_106, %add3A_107 : i32
      %dma_wait3A = arith.constant 0 : i32
      %dma_wait3A_109 = tpu.memref_slice %arg7[%add3A_108, %dma_wait3A] : memref<40x64xi32, #tpu.memory_space<vmem>> -> memref<1x64xi32, #tpu.memory_space<vmem>>
      %dma_wait3A_110 = tpu.memref_squeeze %dma_wait3A_109 : memref<1x64xi32, #tpu.memory_space<vmem>> -> memref<64xi32, #tpu.memory_space<vmem>>
      %dma_wait3A_111 = arith.constant 0 : i32
      %dma_wait3A_112 = arith.constant 0 : i32
      %dma_wait3A_113 = tpu.memref_slice %arg2[%dma_wait3A_111, %dma_wait3A_112] : memref<10000x256xf32, #tpu.memory_space<hbm>> -> memref<10000x256xf32, #tpu.memory_space<hbm>>
      tpu.wait_indirect_dma semaphore(%arg12 : memref<!tpu.dma_semaphore, #tpu.memory_space<semaphore_mem>>) src(%dma_wait3A_113 : memref<10000x256xf32, #tpu.memory_space<hbm>>) dst(%arg9 : memref<64x256xf32, #tpu.memory_space<vmem>>)
      %add3A_114 = arith.constant 2 : i32
      %add3A_115 = arith.addi %add3A_108, %add3A_114 : i32
      %lt3A = arith.constant 40 : i32
      %lt3A_116 = arith.cmpi slt, %add3A_115, %lt3A : i32
      %convert_element_type3A = arith.extui %lt3A_116 : i1 to i32
      %cond3A = arith.constant 0 : i32
      %cond3A_117 = arith.cmpi ne, %convert_element_type3A, %cond3A : i32
      scf.if %cond3A_117 {
        %add3A_135 = arith.constant 2 : i32
        %add3A_136 = arith.addi %add3A_108, %add3A_135 : i32
        %dma_start3A_137 = arith.constant 0 : i32
        %dma_start3A_138 = tpu.memref_slice %arg7[%add3A_136, %dma_start3A_137] : memref<40x64xi32, #tpu.memory_space<vmem>> -> memref<1x64xi32, #tpu.memory_space<vmem>>
        %dma_start3A_139 = tpu.memref_squeeze %dma_start3A_138 : memref<1x64xi32, #tpu.memory_space<vmem>> -> memref<64xi32, #tpu.memory_space<vmem>>
        %dma_start3A_140 = arith.constant 0 : i32
        %dma_start3A_141 = arith.constant 0 : i32
        %dma_start3A_142 = tpu.memref_slice %arg2[%dma_start3A_140, %dma_start3A_141] : memref<10000x256xf32, #tpu.memory_space<hbm>> -> memref<10000x256xf32, #tpu.memory_space<hbm>>
        tpu.enqueue_indirect_dma source(%dma_start3A_142 : memref<10000x256xf32, #tpu.memory_space<hbm>>) target(%arg9 : memref<64x256xf32, #tpu.memory_space<vmem>>) offsets(%dma_start3A_139 : memref<64xi32, #tpu.memory_space<vmem>>) semaphore(%arg12 : memref<!tpu.dma_semaphore, #tpu.memory_space<semaphore_mem>>)
      } else {
      }
      %mul3A_118 = arith.constant 2 : i32
      %mul3A_119 = arith.muli %scan3A_104, %mul3A_118 : i32
      %add3A_120 = arith.constant 1 : i32
      %add3A_121 = arith.addi %mul3A_119, %add3A_120 : i32
      %dma_wait3A_122 = arith.constant 0 : i32
      %dma_wait3A_123 = tpu.memref_slice %arg7[%add3A_121, %dma_wait3A_122] : memref<40x64xi32, #tpu.memory_space<vmem>> -> memref<1x64xi32, #tpu.memory_space<vmem>>
      %dma_wait3A_124 = tpu.memref_squeeze %dma_wait3A_123 : memref<1x64xi32, #tpu.memory_space<vmem>> -> memref<64xi32, #tpu.memory_space<vmem>>
      %dma_wait3A_125 = arith.constant 0 : i32
      %dma_wait3A_126 = arith.constant 0 : i32
      %dma_wait3A_127 = tpu.memref_slice %arg2[%dma_wait3A_125, %dma_wait3A_126] : memref<10000x256xf32, #tpu.memory_space<hbm>> -> memref<10000x256xf32, #tpu.memory_space<hbm>>
      tpu.wait_indirect_dma semaphore(%arg13 : memref<!tpu.dma_semaphore, #tpu.memory_space<semaphore_mem>>) src(%dma_wait3A_127 : memref<10000x256xf32, #tpu.memory_space<hbm>>) dst(%arg10 : memref<64x256xf32, #tpu.memory_space<vmem>>)
      %add3A_128 = arith.constant 2 : i32
      %add3A_129 = arith.addi %add3A_121, %add3A_128 : i32
      %lt3A_130 = arith.constant 40 : i32
      %lt3A_131 = arith.cmpi slt, %add3A_129, %lt3A_130 : i32
      %convert_element_type3A_132 = arith.extui %lt3A_131 : i1 to i32
      %cond3A_133 = arith.constant 0 : i32
      %cond3A_134 = arith.cmpi ne, %convert_element_type3A_132, %cond3A_133 : i32
      scf.if %cond3A_134 {
        %add3A_135 = arith.constant 2 : i32
        %add3A_136 = arith.addi %add3A_121, %add3A_135 : i32
        %dma_start3A_137 = arith.constant 0 : i32
        %dma_start3A_138 = tpu.memref_slice %arg7[%add3A_136, %dma_start3A_137] : memref<40x64xi32, #tpu.memory_space<vmem>> -> memref<1x64xi32, #tpu.memory_space<vmem>>
        %dma_start3A_139 = tpu.memref_squeeze %dma_start3A_138 : memref<1x64xi32, #tpu.memory_space<vmem>> -> memref<64xi32, #tpu.memory_space<vmem>>
        %dma_start3A_140 = arith.constant 0 : i32
        %dma_start3A_141 = arith.constant 0 : i32
        %dma_start3A_142 = tpu.memref_slice %arg2[%dma_start3A_140, %dma_start3A_141] : memref<10000x256xf32, #tpu.memory_space<hbm>> -> memref<10000x256xf32, #tpu.memory_space<hbm>>
        tpu.enqueue_indirect_dma source(%dma_start3A_142 : memref<10000x256xf32, #tpu.memory_space<hbm>>) target(%arg10 : memref<64x256xf32, #tpu.memory_space<vmem>>) offsets(%dma_start3A_139 : memref<64xi32, #tpu.memory_space<vmem>>) semaphore(%arg13 : memref<!tpu.dma_semaphore, #tpu.memory_space<semaphore_mem>>)
      } else {
      }
    }
    %scan3A_26 = arith.constant 20 : i32
    %mul3A_27 = arith.constant 160 : i32
    %mul3A_28 = arith.muli %add3A, %mul3A_27 : i32
    %add3A_29 = arith.constant 40 : i32
    %add3A_30 = arith.addi %mul3A_28, %add3A_29 : i32
    "tpu.region"() ({
      %run_scoped3A = tpu.sem_alloc : memref<!tpu.dma_semaphore, #tpu.memory_space<semaphore_mem>>
      %dma_start3A_104 = arith.constant 0 : i32
      %dma_start3A_105 = tpu.memref_slice %arg3[%add3A_30, %dma_start3A_104] : memref<5120x64xi32, #tpu.memory_space<hbm>> -> memref<40x64xi32, #tpu.memory_space<hbm>>
      %dma_start3A_106 = arith.constant 0 : i32
      %dma_start3A_107 = tpu.memref_slice %arg3[%add3A_30, %dma_start3A_106] : memref<5120x64xi32, #tpu.memory_space<hbm>> -> memref<40x64xi32, #tpu.memory_space<hbm>>
      tpu.enqueue_dma source(%dma_start3A_107 : memref<40x64xi32, #tpu.memory_space<hbm>>) target(%arg7 : memref<40x64xi32, #tpu.memory_space<vmem>>) target_semaphore(%run_scoped3A : memref<!tpu.dma_semaphore, #tpu.memory_space<semaphore_mem>>)
      %dma_wait3A = arith.constant 0 : i32
      %dma_wait3A_108 = tpu.memref_slice %arg3[%add3A_30, %dma_wait3A] : memref<5120x64xi32, #tpu.memory_space<hbm>> -> memref<40x64xi32, #tpu.memory_space<hbm>>
      %dma_wait3A_109 = arith.constant 0 : i32
      %dma_wait3A_110 = tpu.memref_slice %arg3[%add3A_30, %dma_wait3A_109] : memref<5120x64xi32, #tpu.memory_space<hbm>> -> memref<40x64xi32, #tpu.memory_space<hbm>>
      tpu.wait_dma2 semaphore(%run_scoped3A : memref<!tpu.dma_semaphore, #tpu.memory_space<semaphore_mem>>) src(%dma_wait3A_110 : memref<40x64xi32, #tpu.memory_space<hbm>>) dst(%arg7 : memref<40x64xi32, #tpu.memory_space<vmem>>)
      tpu.yield
    }) : () -> ()
    "tpu.region"() ({
      %run_scoped3A = tpu.sem_alloc : memref<!tpu.dma_semaphore, #tpu.memory_space<semaphore_mem>>
      %dma_start3A_104 = arith.constant 0 : i32
      %dma_start3A_105 = tpu.memref_slice %arg4[%add3A_30, %dma_start3A_104] : memref<5120x64xi32, #tpu.memory_space<hbm>> -> memref<40x64xi32, #tpu.memory_space<hbm>>
      %dma_start3A_106 = arith.constant 0 : i32
      %dma_start3A_107 = tpu.memref_slice %arg4[%add3A_30, %dma_start3A_106] : memref<5120x64xi32, #tpu.memory_space<hbm>> -> memref<40x64xi32, #tpu.memory_space<hbm>>
      tpu.enqueue_dma source(%dma_start3A_107 : memref<40x64xi32, #tpu.memory_space<hbm>>) target(%arg8 : memref<40x64xi32, #tpu.memory_space<vmem>>) target_semaphore(%run_scoped3A : memref<!tpu.dma_semaphore, #tpu.memory_space<semaphore_mem>>)
      %dma_wait3A = arith.constant 0 : i32
      %dma_wait3A_108 = tpu.memref_slice %arg4[%add3A_30, %dma_wait3A] : memref<5120x64xi32, #tpu.memory_space<hbm>> -> memref<40x64xi32, #tpu.memory_space<hbm>>
      %dma_wait3A_109 = arith.constant 0 : i32
      %dma_wait3A_110 = tpu.memref_slice %arg4[%add3A_30, %dma_wait3A_109] : memref<5120x64xi32, #tpu.memory_space<hbm>> -> memref<40x64xi32, #tpu.memory_space<hbm>>
      tpu.wait_dma2 semaphore(%run_scoped3A : memref<!tpu.dma_semaphore, #tpu.memory_space<semaphore_mem>>) src(%dma_wait3A_110 : memref<40x64xi32, #tpu.memory_space<hbm>>) dst(%arg8 : memref<40x64xi32, #tpu.memory_space<vmem>>)
      tpu.yield
    }) : () -> ()
    %dma_start3A_31 = arith.constant 0 : i32
    %dma_start3A_32 = arith.constant 0 : i32
    %dma_start3A_33 = tpu.memref_slice %arg7[%dma_start3A_31, %dma_start3A_32] : memref<40x64xi32, #tpu.memory_space<vmem>> -> memref<1x64xi32, #tpu.memory_space<vmem>>
    %dma_start3A_34 = tpu.memref_squeeze %dma_start3A_33 : memref<1x64xi32, #tpu.memory_space<vmem>> -> memref<64xi32, #tpu.memory_space<vmem>>
    %dma_start3A_35 = arith.constant 0 : i32
    %dma_start3A_36 = arith.constant 0 : i32
    %dma_start3A_37 = tpu.memref_slice %arg2[%dma_start3A_35, %dma_start3A_36] : memref<10000x256xf32, #tpu.memory_space<hbm>> -> memref<10000x256xf32, #tpu.memory_space<hbm>>
    tpu.enqueue_indirect_dma source(%dma_start3A_37 : memref<10000x256xf32, #tpu.memory_space<hbm>>) target(%arg9 : memref<64x256xf32, #tpu.memory_space<vmem>>) offsets(%dma_start3A_34 : memref<64xi32, #tpu.memory_space<vmem>>) semaphore(%arg12 : memref<!tpu.dma_semaphore, #tpu.memory_space<semaphore_mem>>)
    %dma_start3A_38 = arith.constant 1 : i32
    %dma_start3A_39 = arith.constant 0 : i32
    %dma_start3A_40 = tpu.memref_slice %arg7[%dma_start3A_38, %dma_start3A_39] : memref<40x64xi32, #tpu.memory_space<vmem>> -> memref<1x64xi32, #tpu.memory_space<vmem>>
    %dma_start3A_41 = tpu.memref_squeeze %dma_start3A_40 : memref<1x64xi32, #tpu.memory_space<vmem>> -> memref<64xi32, #tpu.memory_space<vmem>>
    %dma_start3A_42 = arith.constant 0 : i32
    %dma_start3A_43 = arith.constant 0 : i32
    %dma_start3A_44 = tpu.memref_slice %arg2[%dma_start3A_42, %dma_start3A_43] : memref<10000x256xf32, #tpu.memory_space<hbm>> -> memref<10000x256xf32, #tpu.memory_space<hbm>>
    tpu.enqueue_indirect_dma source(%dma_start3A_44 : memref<10000x256xf32, #tpu.memory_space<hbm>>) target(%arg10 : memref<64x256xf32, #tpu.memory_space<vmem>>) offsets(%dma_start3A_41 : memref<64xi32, #tpu.memory_space<vmem>>) semaphore(%arg13 : memref<!tpu.dma_semaphore, #tpu.memory_space<semaphore_mem>>)
    %scan3A_45 = arith.constant 0 : i32
    %scan3A_46 = arith.constant 0 : i32
    %scan3A_47 = arith.constant 20 : i32
    %scan3A_48 = arith.addi %scan3A_46, %scan3A_47 : i32
    %scan3A_49 = arith.constant 1 : i32
    scf.for %scan3A_104 = %scan3A_46 to %scan3A_48 step %scan3A_49  : i32 {
      %mul3A_105 = arith.constant 2 : i32
      %mul3A_106 = arith.muli %scan3A_104, %mul3A_105 : i32
      %add3A_107 = arith.constant 0 : i32
      %add3A_108 = arith.addi %mul3A_106, %add3A_107 : i32
      %dma_wait3A = arith.constant 0 : i32
      %dma_wait3A_109 = tpu.memref_slice %arg7[%add3A_108, %dma_wait3A] : memref<40x64xi32, #tpu.memory_space<vmem>> -> memref<1x64xi32, #tpu.memory_space<vmem>>
      %dma_wait3A_110 = tpu.memref_squeeze %dma_wait3A_109 : memref<1x64xi32, #tpu.memory_space<vmem>> -> memref<64xi32, #tpu.memory_space<vmem>>
      %dma_wait3A_111 = arith.constant 0 : i32
      %dma_wait3A_112 = arith.constant 0 : i32
      %dma_wait3A_113 = tpu.memref_slice %arg2[%dma_wait3A_111, %dma_wait3A_112] : memref<10000x256xf32, #tpu.memory_space<hbm>> -> memref<10000x256xf32, #tpu.memory_space<hbm>>
      tpu.wait_indirect_dma semaphore(%arg12 : memref<!tpu.dma_semaphore, #tpu.memory_space<semaphore_mem>>) src(%dma_wait3A_113 : memref<10000x256xf32, #tpu.memory_space<hbm>>) dst(%arg9 : memref<64x256xf32, #tpu.memory_space<vmem>>)
      %add3A_114 = arith.constant 2 : i32
      %add3A_115 = arith.addi %add3A_108, %add3A_114 : i32
      %lt3A = arith.constant 40 : i32
      %lt3A_116 = arith.cmpi slt, %add3A_115, %lt3A : i32
      %convert_element_type3A = arith.extui %lt3A_116 : i1 to i32
      %cond3A = arith.constant 0 : i32
      %cond3A_117 = arith.cmpi ne, %convert_element_type3A, %cond3A : i32
      scf.if %cond3A_117 {
        %add3A_135 = arith.constant 2 : i32
        %add3A_136 = arith.addi %add3A_108, %add3A_135 : i32
        %dma_start3A_137 = arith.constant 0 : i32
        %dma_start3A_138 = tpu.memref_slice %arg7[%add3A_136, %dma_start3A_137] : memref<40x64xi32, #tpu.memory_space<vmem>> -> memref<1x64xi32, #tpu.memory_space<vmem>>
        %dma_start3A_139 = tpu.memref_squeeze %dma_start3A_138 : memref<1x64xi32, #tpu.memory_space<vmem>> -> memref<64xi32, #tpu.memory_space<vmem>>
        %dma_start3A_140 = arith.constant 0 : i32
        %dma_start3A_141 = arith.constant 0 : i32
        %dma_start3A_142 = tpu.memref_slice %arg2[%dma_start3A_140, %dma_start3A_141] : memref<10000x256xf32, #tpu.memory_space<hbm>> -> memref<10000x256xf32, #tpu.memory_space<hbm>>
        tpu.enqueue_indirect_dma source(%dma_start3A_142 : memref<10000x256xf32, #tpu.memory_space<hbm>>) target(%arg9 : memref<64x256xf32, #tpu.memory_space<vmem>>) offsets(%dma_start3A_139 : memref<64xi32, #tpu.memory_space<vmem>>) semaphore(%arg12 : memref<!tpu.dma_semaphore, #tpu.memory_space<semaphore_mem>>)
      } else {
      }
      %mul3A_118 = arith.constant 2 : i32
      %mul3A_119 = arith.muli %scan3A_104, %mul3A_118 : i32
      %add3A_120 = arith.constant 1 : i32
      %add3A_121 = arith.addi %mul3A_119, %add3A_120 : i32
      %dma_wait3A_122 = arith.constant 0 : i32
      %dma_wait3A_123 = tpu.memref_slice %arg7[%add3A_121, %dma_wait3A_122] : memref<40x64xi32, #tpu.memory_space<vmem>> -> memref<1x64xi32, #tpu.memory_space<vmem>>
      %dma_wait3A_124 = tpu.memref_squeeze %dma_wait3A_123 : memref<1x64xi32, #tpu.memory_space<vmem>> -> memref<64xi32, #tpu.memory_space<vmem>>
      %dma_wait3A_125 = arith.constant 0 : i32
      %dma_wait3A_126 = arith.constant 0 : i32
      %dma_wait3A_127 = tpu.memref_slice %arg2[%dma_wait3A_125, %dma_wait3A_126] : memref<10000x256xf32, #tpu.memory_space<hbm>> -> memref<10000x256xf32, #tpu.memory_space<hbm>>
      tpu.wait_indirect_dma semaphore(%arg13 : memref<!tpu.dma_semaphore, #tpu.memory_space<semaphore_mem>>) src(%dma_wait3A_127 : memref<10000x256xf32, #tpu.memory_space<hbm>>) dst(%arg10 : memref<64x256xf32, #tpu.memory_space<vmem>>)
      %add3A_128 = arith.constant 2 : i32
      %add3A_129 = arith.addi %add3A_121, %add3A_128 : i32
      %lt3A_130 = arith.constant 40 : i32
      %lt3A_131 = arith.cmpi slt, %add3A_129, %lt3A_130 : i32
      %convert_element_type3A_132 = arith.extui %lt3A_131 : i1 to i32
      %cond3A_133 = arith.constant 0 : i32
      %cond3A_134 = arith.cmpi ne, %convert_element_type3A_132, %cond3A_133 : i32
      scf.if %cond3A_134 {
        %add3A_135 = arith.constant 2 : i32
        %add3A_136 = arith.addi %add3A_121, %add3A_135 : i32
        %dma_start3A_137 = arith.constant 0 : i32
        %dma_start3A_138 = tpu.memref_slice %arg7[%add3A_136, %dma_start3A_137] : memref<40x64xi32, #tpu.memory_space<vmem>> -> memref<1x64xi32, #tpu.memory_space<vmem>>
        %dma_start3A_139 = tpu.memref_squeeze %dma_start3A_138 : memref<1x64xi32, #tpu.memory_space<vmem>> -> memref<64xi32, #tpu.memory_space<vmem>>
        %dma_start3A_140 = arith.constant 0 : i32
        %dma_start3A_141 = arith.constant 0 : i32
        %dma_start3A_142 = tpu.memref_slice %arg2[%dma_start3A_140, %dma_start3A_141] : memref<10000x256xf32, #tpu.memory_space<hbm>> -> memref<10000x256xf32, #tpu.memory_space<hbm>>
        tpu.enqueue_indirect_dma source(%dma_start3A_142 : memref<10000x256xf32, #tpu.memory_space<hbm>>) target(%arg10 : memref<64x256xf32, #tpu.memory_space<vmem>>) offsets(%dma_start3A_139 : memref<64xi32, #tpu.memory_space<vmem>>) semaphore(%arg13 : memref<!tpu.dma_semaphore, #tpu.memory_space<semaphore_mem>>)
      } else {
      }
    }
    %scan3A_50 = arith.constant 20 : i32
    %mul3A_51 = arith.constant 160 : i32
    %mul3A_52 = arith.muli %add3A, %mul3A_51 : i32
    %add3A_53 = arith.constant 80 : i32
    %add3A_54 = arith.addi %mul3A_52, %add3A_53 : i32
    "tpu.region"() ({
      %run_scoped3A = tpu.sem_alloc : memref<!tpu.dma_semaphore, #tpu.memory_space<semaphore_mem>>
      %dma_start3A_104 = arith.constant 0 : i32
      %dma_start3A_105 = tpu.memref_slice %arg3[%add3A_54, %dma_start3A_104] : memref<5120x64xi32, #tpu.memory_space<hbm>> -> memref<40x64xi32, #tpu.memory_space<hbm>>
      %dma_start3A_106 = arith.constant 0 : i32
      %dma_start3A_107 = tpu.memref_slice %arg3[%add3A_54, %dma_start3A_106] : memref<5120x64xi32, #tpu.memory_space<hbm>> -> memref<40x64xi32, #tpu.memory_space<hbm>>
      tpu.enqueue_dma source(%dma_start3A_107 : memref<40x64xi32, #tpu.memory_space<hbm>>) target(%arg7 : memref<40x64xi32, #tpu.memory_space<vmem>>) target_semaphore(%run_scoped3A : memref<!tpu.dma_semaphore, #tpu.memory_space<semaphore_mem>>)
      %dma_wait3A = arith.constant 0 : i32
      %dma_wait3A_108 = tpu.memref_slice %arg3[%add3A_54, %dma_wait3A] : memref<5120x64xi32, #tpu.memory_space<hbm>> -> memref<40x64xi32, #tpu.memory_space<hbm>>
      %dma_wait3A_109 = arith.constant 0 : i32
      %dma_wait3A_110 = tpu.memref_slice %arg3[%add3A_54, %dma_wait3A_109] : memref<5120x64xi32, #tpu.memory_space<hbm>> -> memref<40x64xi32, #tpu.memory_space<hbm>>
      tpu.wait_dma2 semaphore(%run_scoped3A : memref<!tpu.dma_semaphore, #tpu.memory_space<semaphore_mem>>) src(%dma_wait3A_110 : memref<40x64xi32, #tpu.memory_space<hbm>>) dst(%arg7 : memref<40x64xi32, #tpu.memory_space<vmem>>)
      tpu.yield
    }) : () -> ()
    "tpu.region"() ({
      %run_scoped3A = tpu.sem_alloc : memref<!tpu.dma_semaphore, #tpu.memory_space<semaphore_mem>>
      %dma_start3A_104 = arith.constant 0 : i32
      %dma_start3A_105 = tpu.memref_slice %arg4[%add3A_54, %dma_start3A_104] : memref<5120x64xi32, #tpu.memory_space<hbm>> -> memref<40x64xi32, #tpu.memory_space<hbm>>
      %dma_start3A_106 = arith.constant 0 : i32
      %dma_start3A_107 = tpu.memref_slice %arg4[%add3A_54, %dma_start3A_106] : memref<5120x64xi32, #tpu.memory_space<hbm>> -> memref<40x64xi32, #tpu.memory_space<hbm>>
      tpu.enqueue_dma source(%dma_start3A_107 : memref<40x64xi32, #tpu.memory_space<hbm>>) target(%arg8 : memref<40x64xi32, #tpu.memory_space<vmem>>) target_semaphore(%run_scoped3A : memref<!tpu.dma_semaphore, #tpu.memory_space<semaphore_mem>>)
      %dma_wait3A = arith.constant 0 : i32
      %dma_wait3A_108 = tpu.memref_slice %arg4[%add3A_54, %dma_wait3A] : memref<5120x64xi32, #tpu.memory_space<hbm>> -> memref<40x64xi32, #tpu.memory_space<hbm>>
      %dma_wait3A_109 = arith.constant 0 : i32
      %dma_wait3A_110 = tpu.memref_slice %arg4[%add3A_54, %dma_wait3A_109] : memref<5120x64xi32, #tpu.memory_space<hbm>> -> memref<40x64xi32, #tpu.memory_space<hbm>>
      tpu.wait_dma2 semaphore(%run_scoped3A : memref<!tpu.dma_semaphore, #tpu.memory_space<semaphore_mem>>) src(%dma_wait3A_110 : memref<40x64xi32, #tpu.memory_space<hbm>>) dst(%arg8 : memref<40x64xi32, #tpu.memory_space<vmem>>)
      tpu.yield
    }) : () -> ()
    %dma_start3A_55 = arith.constant 0 : i32
    %dma_start3A_56 = arith.constant 0 : i32
    %dma_start3A_57 = tpu.memref_slice %arg7[%dma_start3A_55, %dma_start3A_56] : memref<40x64xi32, #tpu.memory_space<vmem>> -> memref<1x64xi32, #tpu.memory_space<vmem>>
    %dma_start3A_58 = tpu.memref_squeeze %dma_start3A_57 : memref<1x64xi32, #tpu.memory_space<vmem>> -> memref<64xi32, #tpu.memory_space<vmem>>
    %dma_start3A_59 = arith.constant 0 : i32
    %dma_start3A_60 = arith.constant 0 : i32
    %dma_start3A_61 = tpu.memref_slice %arg2[%dma_start3A_59, %dma_start3A_60] : memref<10000x256xf32, #tpu.memory_space<hbm>> -> memref<10000x256xf32, #tpu.memory_space<hbm>>
    tpu.enqueue_indirect_dma source(%dma_start3A_61 : memref<10000x256xf32, #tpu.memory_space<hbm>>) target(%arg9 : memref<64x256xf32, #tpu.memory_space<vmem>>) offsets(%dma_start3A_58 : memref<64xi32, #tpu.memory_space<vmem>>) semaphore(%arg12 : memref<!tpu.dma_semaphore, #tpu.memory_space<semaphore_mem>>)
    %dma_start3A_62 = arith.constant 1 : i32
    %dma_start3A_63 = arith.constant 0 : i32
    %dma_start3A_64 = tpu.memref_slice %arg7[%dma_start3A_62, %dma_start3A_63] : memref<40x64xi32, #tpu.memory_space<vmem>> -> memref<1x64xi32, #tpu.memory_space<vmem>>
    %dma_start3A_65 = tpu.memref_squeeze %dma_start3A_64 : memref<1x64xi32, #tpu.memory_space<vmem>> -> memref<64xi32, #tpu.memory_space<vmem>>
    %dma_start3A_66 = arith.constant 0 : i32
    %dma_start3A_67 = arith.constant 0 : i32
    %dma_start3A_68 = tpu.memref_slice %arg2[%dma_start3A_66, %dma_start3A_67] : memref<10000x256xf32, #tpu.memory_space<hbm>> -> memref<10000x256xf32, #tpu.memory_space<hbm>>
    tpu.enqueue_indirect_dma source(%dma_start3A_68 : memref<10000x256xf32, #tpu.memory_space<hbm>>) target(%arg10 : memref<64x256xf32, #tpu.memory_space<vmem>>) offsets(%dma_start3A_65 : memref<64xi32, #tpu.memory_space<vmem>>) semaphore(%arg13 : memref<!tpu.dma_semaphore, #tpu.memory_space<semaphore_mem>>)
    %scan3A_69 = arith.constant 0 : i32
    %scan3A_70 = arith.constant 0 : i32
    %scan3A_71 = arith.constant 20 : i32
    %scan3A_72 = arith.addi %scan3A_70, %scan3A_71 : i32
    %scan3A_73 = arith.constant 1 : i32
    scf.for %scan3A_104 = %scan3A_70 to %scan3A_72 step %scan3A_73  : i32 {
      %mul3A_105 = arith.constant 2 : i32
      %mul3A_106 = arith.muli %scan3A_104, %mul3A_105 : i32
      %add3A_107 = arith.constant 0 : i32
      %add3A_108 = arith.addi %mul3A_106, %add3A_107 : i32
      %dma_wait3A = arith.constant 0 : i32
      %dma_wait3A_109 = tpu.memref_slice %arg7[%add3A_108, %dma_wait3A] : memref<40x64xi32, #tpu.memory_space<vmem>> -> memref<1x64xi32, #tpu.memory_space<vmem>>
      %dma_wait3A_110 = tpu.memref_squeeze %dma_wait3A_109 : memref<1x64xi32, #tpu.memory_space<vmem>> -> memref<64xi32, #tpu.memory_space<vmem>>
      %dma_wait3A_111 = arith.constant 0 : i32
      %dma_wait3A_112 = arith.constant 0 : i32
      %dma_wait3A_113 = tpu.memref_slice %arg2[%dma_wait3A_111, %dma_wait3A_112] : memref<10000x256xf32, #tpu.memory_space<hbm>> -> memref<10000x256xf32, #tpu.memory_space<hbm>>
      tpu.wait_indirect_dma semaphore(%arg12 : memref<!tpu.dma_semaphore, #tpu.memory_space<semaphore_mem>>) src(%dma_wait3A_113 : memref<10000x256xf32, #tpu.memory_space<hbm>>) dst(%arg9 : memref<64x256xf32, #tpu.memory_space<vmem>>)
      %add3A_114 = arith.constant 2 : i32
      %add3A_115 = arith.addi %add3A_108, %add3A_114 : i32
      %lt3A = arith.constant 40 : i32
      %lt3A_116 = arith.cmpi slt, %add3A_115, %lt3A : i32
      %convert_element_type3A = arith.extui %lt3A_116 : i1 to i32
      %cond3A = arith.constant 0 : i32
      %cond3A_117 = arith.cmpi ne, %convert_element_type3A, %cond3A : i32
      scf.if %cond3A_117 {
        %add3A_135 = arith.constant 2 : i32
        %add3A_136 = arith.addi %add3A_108, %add3A_135 : i32
        %dma_start3A_137 = arith.constant 0 : i32
        %dma_start3A_138 = tpu.memref_slice %arg7[%add3A_136, %dma_start3A_137] : memref<40x64xi32, #tpu.memory_space<vmem>> -> memref<1x64xi32, #tpu.memory_space<vmem>>
        %dma_start3A_139 = tpu.memref_squeeze %dma_start3A_138 : memref<1x64xi32, #tpu.memory_space<vmem>> -> memref<64xi32, #tpu.memory_space<vmem>>
        %dma_start3A_140 = arith.constant 0 : i32
        %dma_start3A_141 = arith.constant 0 : i32
        %dma_start3A_142 = tpu.memref_slice %arg2[%dma_start3A_140, %dma_start3A_141] : memref<10000x256xf32, #tpu.memory_space<hbm>> -> memref<10000x256xf32, #tpu.memory_space<hbm>>
        tpu.enqueue_indirect_dma source(%dma_start3A_142 : memref<10000x256xf32, #tpu.memory_space<hbm>>) target(%arg9 : memref<64x256xf32, #tpu.memory_space<vmem>>) offsets(%dma_start3A_139 : memref<64xi32, #tpu.memory_space<vmem>>) semaphore(%arg12 : memref<!tpu.dma_semaphore, #tpu.memory_space<semaphore_mem>>)
      } else {
      }
      %mul3A_118 = arith.constant 2 : i32
      %mul3A_119 = arith.muli %scan3A_104, %mul3A_118 : i32
      %add3A_120 = arith.constant 1 : i32
      %add3A_121 = arith.addi %mul3A_119, %add3A_120 : i32
      %dma_wait3A_122 = arith.constant 0 : i32
      %dma_wait3A_123 = tpu.memref_slice %arg7[%add3A_121, %dma_wait3A_122] : memref<40x64xi32, #tpu.memory_space<vmem>> -> memref<1x64xi32, #tpu.memory_space<vmem>>
      %dma_wait3A_124 = tpu.memref_squeeze %dma_wait3A_123 : memref<1x64xi32, #tpu.memory_space<vmem>> -> memref<64xi32, #tpu.memory_space<vmem>>
      %dma_wait3A_125 = arith.constant 0 : i32
      %dma_wait3A_126 = arith.constant 0 : i32
      %dma_wait3A_127 = tpu.memref_slice %arg2[%dma_wait3A_125, %dma_wait3A_126] : memref<10000x256xf32, #tpu.memory_space<hbm>> -> memref<10000x256xf32, #tpu.memory_space<hbm>>
      tpu.wait_indirect_dma semaphore(%arg13 : memref<!tpu.dma_semaphore, #tpu.memory_space<semaphore_mem>>) src(%dma_wait3A_127 : memref<10000x256xf32, #tpu.memory_space<hbm>>) dst(%arg10 : memref<64x256xf32, #tpu.memory_space<vmem>>)
      %add3A_128 = arith.constant 2 : i32
      %add3A_129 = arith.addi %add3A_121, %add3A_128 : i32
      %lt3A_130 = arith.constant 40 : i32
      %lt3A_131 = arith.cmpi slt, %add3A_129, %lt3A_130 : i32
      %convert_element_type3A_132 = arith.extui %lt3A_131 : i1 to i32
      %cond3A_133 = arith.constant 0 : i32
      %cond3A_134 = arith.cmpi ne, %convert_element_type3A_132, %cond3A_133 : i32
      scf.if %cond3A_134 {
        %add3A_135 = arith.constant 2 : i32
        %add3A_136 = arith.addi %add3A_121, %add3A_135 : i32
        %dma_start3A_137 = arith.constant 0 : i32
        %dma_start3A_138 = tpu.memref_slice %arg7[%add3A_136, %dma_start3A_137] : memref<40x64xi32, #tpu.memory_space<vmem>> -> memref<1x64xi32, #tpu.memory_space<vmem>>
        %dma_start3A_139 = tpu.memref_squeeze %dma_start3A_138 : memref<1x64xi32, #tpu.memory_space<vmem>> -> memref<64xi32, #tpu.memory_space<vmem>>
        %dma_start3A_140 = arith.constant 0 : i32
        %dma_start3A_141 = arith.constant 0 : i32
        %dma_start3A_142 = tpu.memref_slice %arg2[%dma_start3A_140, %dma_start3A_141] : memref<10000x256xf32, #tpu.memory_space<hbm>> -> memref<10000x256xf32, #tpu.memory_space<hbm>>
        tpu.enqueue_indirect_dma source(%dma_start3A_142 : memref<10000x256xf32, #tpu.memory_space<hbm>>) target(%arg10 : memref<64x256xf32, #tpu.memory_space<vmem>>) offsets(%dma_start3A_139 : memref<64xi32, #tpu.memory_space<vmem>>) semaphore(%arg13 : memref<!tpu.dma_semaphore, #tpu.memory_space<semaphore_mem>>)
      } else {
      }
    }
    %scan3A_74 = arith.constant 20 : i32
    %mul3A_75 = arith.constant 160 : i32
    %mul3A_76 = arith.muli %add3A, %mul3A_75 : i32
    %add3A_77 = arith.constant 120 : i32
    %add3A_78 = arith.addi %mul3A_76, %add3A_77 : i32
    "tpu.region"() ({
      %run_scoped3A = tpu.sem_alloc : memref<!tpu.dma_semaphore, #tpu.memory_space<semaphore_mem>>
      %dma_start3A_104 = arith.constant 0 : i32
      %dma_start3A_105 = tpu.memref_slice %arg3[%add3A_78, %dma_start3A_104] : memref<5120x64xi32, #tpu.memory_space<hbm>> -> memref<40x64xi32, #tpu.memory_space<hbm>>
      %dma_start3A_106 = arith.constant 0 : i32
      %dma_start3A_107 = tpu.memref_slice %arg3[%add3A_78, %dma_start3A_106] : memref<5120x64xi32, #tpu.memory_space<hbm>> -> memref<40x64xi32, #tpu.memory_space<hbm>>
      tpu.enqueue_dma source(%dma_start3A_107 : memref<40x64xi32, #tpu.memory_space<hbm>>) target(%arg7 : memref<40x64xi32, #tpu.memory_space<vmem>>) target_semaphore(%run_scoped3A : memref<!tpu.dma_semaphore, #tpu.memory_space<semaphore_mem>>)
      %dma_wait3A = arith.constant 0 : i32
      %dma_wait3A_108 = tpu.memref_slice %arg3[%add3A_78, %dma_wait3A] : memref<5120x64xi32, #tpu.memory_space<hbm>> -> memref<40x64xi32, #tpu.memory_space<hbm>>
      %dma_wait3A_109 = arith.constant 0 : i32
      %dma_wait3A_110 = tpu.memref_slice %arg3[%add3A_78, %dma_wait3A_109] : memref<5120x64xi32, #tpu.memory_space<hbm>> -> memref<40x64xi32, #tpu.memory_space<hbm>>
      tpu.wait_dma2 semaphore(%run_scoped3A : memref<!tpu.dma_semaphore, #tpu.memory_space<semaphore_mem>>) src(%dma_wait3A_110 : memref<40x64xi32, #tpu.memory_space<hbm>>) dst(%arg7 : memref<40x64xi32, #tpu.memory_space<vmem>>)
      tpu.yield
    }) : () -> ()
    "tpu.region"() ({
      %run_scoped3A = tpu.sem_alloc : memref<!tpu.dma_semaphore, #tpu.memory_space<semaphore_mem>>
      %dma_start3A_104 = arith.constant 0 : i32
      %dma_start3A_105 = tpu.memref_slice %arg4[%add3A_78, %dma_start3A_104] : memref<5120x64xi32, #tpu.memory_space<hbm>> -> memref<40x64xi32, #tpu.memory_space<hbm>>
      %dma_start3A_106 = arith.constant 0 : i32
      %dma_start3A_107 = tpu.memref_slice %arg4[%add3A_78, %dma_start3A_106] : memref<5120x64xi32, #tpu.memory_space<hbm>> -> memref<40x64xi32, #tpu.memory_space<hbm>>
      tpu.enqueue_dma source(%dma_start3A_107 : memref<40x64xi32, #tpu.memory_space<hbm>>) target(%arg8 : memref<40x64xi32, #tpu.memory_space<vmem>>) target_semaphore(%run_scoped3A : memref<!tpu.dma_semaphore, #tpu.memory_space<semaphore_mem>>)
      %dma_wait3A = arith.constant 0 : i32
      %dma_wait3A_108 = tpu.memref_slice %arg4[%add3A_78, %dma_wait3A] : memref<5120x64xi32, #tpu.memory_space<hbm>> -> memref<40x64xi32, #tpu.memory_space<hbm>>
      %dma_wait3A_109 = arith.constant 0 : i32
      %dma_wait3A_110 = tpu.memref_slice %arg4[%add3A_78, %dma_wait3A_109] : memref<5120x64xi32, #tpu.memory_space<hbm>> -> memref<40x64xi32, #tpu.memory_space<hbm>>
      tpu.wait_dma2 semaphore(%run_scoped3A : memref<!tpu.dma_semaphore, #tpu.memory_space<semaphore_mem>>) src(%dma_wait3A_110 : memref<40x64xi32, #tpu.memory_space<hbm>>) dst(%arg8 : memref<40x64xi32, #tpu.memory_space<vmem>>)
      tpu.yield
    }) : () -> ()
    %dma_start3A_79 = arith.constant 0 : i32
    %dma_start3A_80 = arith.constant 0 : i32
    %dma_start3A_81 = tpu.memref_slice %arg7[%dma_start3A_79, %dma_start3A_80] : memref<40x64xi32, #tpu.memory_space<vmem>> -> memref<1x64xi32, #tpu.memory_space<vmem>>
    %dma_start3A_82 = tpu.memref_squeeze %dma_start3A_81 : memref<1x64xi32, #tpu.memory_space<vmem>> -> memref<64xi32, #tpu.memory_space<vmem>>
    %dma_start3A_83 = arith.constant 0 : i32
    %dma_start3A_84 = arith.constant 0 : i32
    %dma_start3A_85 = tpu.memref_slice %arg2[%dma_start3A_83, %dma_start3A_84] : memref<10000x256xf32, #tpu.memory_space<hbm>> -> memref<10000x256xf32, #tpu.memory_space<hbm>>
    tpu.enqueue_indirect_dma source(%dma_start3A_85 : memref<10000x256xf32, #tpu.memory_space<hbm>>) target(%arg9 : memref<64x256xf32, #tpu.memory_space<vmem>>) offsets(%dma_start3A_82 : memref<64xi32, #tpu.memory_space<vmem>>) semaphore(%arg12 : memref<!tpu.dma_semaphore, #tpu.memory_space<semaphore_mem>>)
    %dma_start3A_86 = arith.constant 1 : i32
    %dma_start3A_87 = arith.constant 0 : i32
    %dma_start3A_88 = tpu.memref_slice %arg7[%dma_start3A_86, %dma_start3A_87] : memref<40x64xi32, #tpu.memory_space<vmem>> -> memref<1x64xi32, #tpu.memory_space<vmem>>
    %dma_start3A_89 = tpu.memref_squeeze %dma_start3A_88 : memref<1x64xi32, #tpu.memory_space<vmem>> -> memref<64xi32, #tpu.memory_space<vmem>>
    %dma_start3A_90 = arith.constant 0 : i32
    %dma_start3A_91 = arith.constant 0 : i32
    %dma_start3A_92 = tpu.memref_slice %arg2[%dma_start3A_90, %dma_start3A_91] : memref<10000x256xf32, #tpu.memory_space<hbm>> -> memref<10000x256xf32, #tpu.memory_space<hbm>>
    tpu.enqueue_indirect_dma source(%dma_start3A_92 : memref<10000x256xf32, #tpu.memory_space<hbm>>) target(%arg10 : memref<64x256xf32, #tpu.memory_space<vmem>>) offsets(%dma_start3A_89 : memref<64xi32, #tpu.memory_space<vmem>>) semaphore(%arg13 : memref<!tpu.dma_semaphore, #tpu.memory_space<semaphore_mem>>)
    %scan3A_93 = arith.constant 0 : i32
    %scan3A_94 = arith.constant 0 : i32
    %scan3A_95 = arith.constant 20 : i32
    %scan3A_96 = arith.addi %scan3A_94, %scan3A_95 : i32
    %scan3A_97 = arith.constant 1 : i32
    scf.for %scan3A_104 = %scan3A_94 to %scan3A_96 step %scan3A_97  : i32 {
      %mul3A_105 = arith.constant 2 : i32
      %mul3A_106 = arith.muli %scan3A_104, %mul3A_105 : i32
      %add3A_107 = arith.constant 0 : i32
      %add3A_108 = arith.addi %mul3A_106, %add3A_107 : i32
      %dma_wait3A = arith.constant 0 : i32
      %dma_wait3A_109 = tpu.memref_slice %arg7[%add3A_108, %dma_wait3A] : memref<40x64xi32, #tpu.memory_space<vmem>> -> memref<1x64xi32, #tpu.memory_space<vmem>>
      %dma_wait3A_110 = tpu.memref_squeeze %dma_wait3A_109 : memref<1x64xi32, #tpu.memory_space<vmem>> -> memref<64xi32, #tpu.memory_space<vmem>>
      %dma_wait3A_111 = arith.constant 0 : i32
      %dma_wait3A_112 = arith.constant 0 : i32
      %dma_wait3A_113 = tpu.memref_slice %arg2[%dma_wait3A_111, %dma_wait3A_112] : memref<10000x256xf32, #tpu.memory_space<hbm>> -> memref<10000x256xf32, #tpu.memory_space<hbm>>
      tpu.wait_indirect_dma semaphore(%arg12 : memref<!tpu.dma_semaphore, #tpu.memory_space<semaphore_mem>>) src(%dma_wait3A_113 : memref<10000x256xf32, #tpu.memory_space<hbm>>) dst(%arg9 : memref<64x256xf32, #tpu.memory_space<vmem>>)
      %add3A_114 = arith.constant 2 : i32
      %add3A_115 = arith.addi %add3A_108, %add3A_114 : i32
      %lt3A = arith.constant 40 : i32
      %lt3A_116 = arith.cmpi slt, %add3A_115, %lt3A : i32
      %convert_element_type3A = arith.extui %lt3A_116 : i1 to i32
      %cond3A = arith.constant 0 : i32
      %cond3A_117 = arith.cmpi ne, %convert_element_type3A, %cond3A : i32
      scf.if %cond3A_117 {
        %add3A_135 = arith.constant 2 : i32
        %add3A_136 = arith.addi %add3A_108, %add3A_135 : i32
        %dma_start3A_137 = arith.constant 0 : i32
        %dma_start3A_138 = tpu.memref_slice %arg7[%add3A_136, %dma_start3A_137] : memref<40x64xi32, #tpu.memory_space<vmem>> -> memref<1x64xi32, #tpu.memory_space<vmem>>
        %dma_start3A_139 = tpu.memref_squeeze %dma_start3A_138 : memref<1x64xi32, #tpu.memory_space<vmem>> -> memref<64xi32, #tpu.memory_space<vmem>>
        %dma_start3A_140 = arith.constant 0 : i32
        %dma_start3A_141 = arith.constant 0 : i32
        %dma_start3A_142 = tpu.memref_slice %arg2[%dma_start3A_140, %dma_start3A_141] : memref<10000x256xf32, #tpu.memory_space<hbm>> -> memref<10000x256xf32, #tpu.memory_space<hbm>>
        tpu.enqueue_indirect_dma source(%dma_start3A_142 : memref<10000x256xf32, #tpu.memory_space<hbm>>) target(%arg9 : memref<64x256xf32, #tpu.memory_space<vmem>>) offsets(%dma_start3A_139 : memref<64xi32, #tpu.memory_space<vmem>>) semaphore(%arg12 : memref<!tpu.dma_semaphore, #tpu.memory_space<semaphore_mem>>)
      } else {
      }
      %mul3A_118 = arith.constant 2 : i32
      %mul3A_119 = arith.muli %scan3A_104, %mul3A_118 : i32
      %add3A_120 = arith.constant 1 : i32
      %add3A_121 = arith.addi %mul3A_119, %add3A_120 : i32
      %dma_wait3A_122 = arith.constant 0 : i32
      %dma_wait3A_123 = tpu.memref_slice %arg7[%add3A_121, %dma_wait3A_122] : memref<40x64xi32, #tpu.memory_space<vmem>> -> memref<1x64xi32, #tpu.memory_space<vmem>>
      %dma_wait3A_124 = tpu.memref_squeeze %dma_wait3A_123 : memref<1x64xi32, #tpu.memory_space<vmem>> -> memref<64xi32, #tpu.memory_space<vmem>>
      %dma_wait3A_125 = arith.constant 0 : i32
      %dma_wait3A_126 = arith.constant 0 : i32
      %dma_wait3A_127 = tpu.memref_slice %arg2[%dma_wait3A_125, %dma_wait3A_126] : memref<10000x256xf32, #tpu.memory_space<hbm>> -> memref<10000x256xf32, #tpu.memory_space<hbm>>
      tpu.wait_indirect_dma semaphore(%arg13 : memref<!tpu.dma_semaphore, #tpu.memory_space<semaphore_mem>>) src(%dma_wait3A_127 : memref<10000x256xf32, #tpu.memory_space<hbm>>) dst(%arg10 : memref<64x256xf32, #tpu.memory_space<vmem>>)
      %add3A_128 = arith.constant 2 : i32
      %add3A_129 = arith.addi %add3A_121, %add3A_128 : i32
      %lt3A_130 = arith.constant 40 : i32
      %lt3A_131 = arith.cmpi slt, %add3A_129, %lt3A_130 : i32
      %convert_element_type3A_132 = arith.extui %lt3A_131 : i1 to i32
      %cond3A_133 = arith.constant 0 : i32
      %cond3A_134 = arith.cmpi ne, %convert_element_type3A_132, %cond3A_133 : i32
      scf.if %cond3A_134 {
        %add3A_135 = arith.constant 2 : i32
        %add3A_136 = arith.addi %add3A_121, %add3A_135 : i32
        %dma_start3A_137 = arith.constant 0 : i32
        %dma_start3A_138 = tpu.memref_slice %arg7[%add3A_136, %dma_start3A_137] : memref<40x64xi32, #tpu.memory_space<vmem>> -> memref<1x64xi32, #tpu.memory_space<vmem>>
        %dma_start3A_139 = tpu.memref_squeeze %dma_start3A_138 : memref<1x64xi32, #tpu.memory_space<vmem>> -> memref<64xi32, #tpu.memory_space<vmem>>
        %dma_start3A_140 = arith.constant 0 : i32
        %dma_start3A_141 = arith.constant 0 : i32
        %dma_start3A_142 = tpu.memref_slice %arg2[%dma_start3A_140, %dma_start3A_141] : memref<10000x256xf32, #tpu.memory_space<hbm>> -> memref<10000x256xf32, #tpu.memory_space<hbm>>
        tpu.enqueue_indirect_dma source(%dma_start3A_142 : memref<10000x256xf32, #tpu.memory_space<hbm>>) target(%arg10 : memref<64x256xf32, #tpu.memory_space<vmem>>) offsets(%dma_start3A_139 : memref<64xi32, #tpu.memory_space<vmem>>) semaphore(%arg13 : memref<!tpu.dma_semaphore, #tpu.memory_space<semaphore_mem>>)
      } else {
      }
    }
    %scan3A_98 = arith.constant 20 : i32
    %barrier3A_99 = arith.constant 0 : index
    tpu.barrier barrier_id(%barrier3A_99)
    %mul3A_100 = arith.constant 632 : i32
    %mul3A_101 = arith.muli %arg1, %mul3A_100 : i32
    %mul3A_102 = arith.constant 632 : i32
    %mul3A_103 = arith.muli %arg1, %mul3A_102 : i32
    "tpu.region"() ({
      %run_scoped3A = tpu.sem_alloc : memref<!tpu.dma_semaphore, #tpu.memory_space<semaphore_mem>>
      %dma_start3A_104 = arith.constant 0 : i32
      %dma_start3A_105 = tpu.memref_slice %arg6[%arg0, %mul3A_103, %dma_start3A_104] : memref<2x10112x128xf32, #tpu.memory_space<hbm>> -> memref<1x632x128xf32, #tpu.memory_space<hbm>>
      %dma_start3A_106 = tpu.memref_squeeze %dma_start3A_105 : memref<1x632x128xf32, #tpu.memory_space<hbm>> -> memref<632x128xf32, #tpu.memory_space<hbm>>
      %dma_start3A_107 = arith.constant 0 : i32
      %dma_start3A_108 = tpu.memref_slice %arg11[%mul3A_101, %dma_start3A_107] : memref<10112x128xf32, #tpu.memory_space<vmem_shared>> -> memref<632x128xf32, #tpu.memory_space<vmem_shared>>
      tpu.enqueue_dma source(%dma_start3A_108 : memref<632x128xf32, #tpu.memory_space<vmem_shared>>) target(%dma_start3A_106 : memref<632x128xf32, #tpu.memory_space<hbm>>) target_semaphore(%run_scoped3A : memref<!tpu.dma_semaphore, #tpu.memory_space<semaphore_mem>>)
      %dma_wait3A = arith.constant 0 : i32
      %dma_wait3A_109 = tpu.memref_slice %arg6[%arg0, %mul3A_103, %dma_wait3A] : memref<2x10112x128xf32, #tpu.memory_space<hbm>> -> memref<1x632x128xf32, #tpu.memory_space<hbm>>
      %dma_wait3A_110 = tpu.memref_squeeze %dma_wait3A_109 : memref<1x632x128xf32, #tpu.memory_space<hbm>> -> memref<632x128xf32, #tpu.memory_space<hbm>>
      %dma_wait3A_111 = arith.constant 0 : i32
      %dma_wait3A_112 = tpu.memref_slice %arg11[%mul3A_101, %dma_wait3A_111] : memref<10112x128xf32, #tpu.memory_space<vmem_shared>> -> memref<632x128xf32, #tpu.memory_space<vmem_shared>>
      tpu.wait_dma2 semaphore(%run_scoped3A : memref<!tpu.dma_semaphore, #tpu.memory_space<semaphore_mem>>) src(%dma_wait3A_112 : memref<632x128xf32, #tpu.memory_space<vmem_shared>>) dst(%dma_wait3A_110 : memref<632x128xf32, #tpu.memory_space<hbm>>)
      tpu.yield
    }) : () -> ()
    return
  }
}

module attributes {stable_mosaic.version = 14 : i64} {
  func.func @_gru_body(%arg0: i32, %arg1: memref<1000x128xf32, #tpu.memory_space<vmem>>, %arg2: memref<2x1000x128xf32, #tpu.memory_space<vmem>>, %arg3: memref<128x384xf32, #tpu.memory_space<vmem>>, %arg4: memref<128x384xf32, #tpu.memory_space<vmem>>, %arg5: memref<1x384xf32, #tpu.memory_space<vmem>>, %arg6: memref<1x384xf32, #tpu.memory_space<vmem>>, %arg7: memref<1000x128xf32, #tpu.memory_space<vmem>>) attributes {dimension_semantics = [#tpu.dimension_semantics<arbitrary>], iteration_bounds = array<i64: 10>, scalar_prefetch = 0 : i64, scratch_operands = 0 : i64, tpu.core_type = #tpu.core_type<tc>, window_params = [{transform_indices = @transform_0, window_bounds = array<i64: 1000, 128>}, {transform_indices = @transform_1, window_bounds = array<i64: 2, 1000, 128>}, {pipeline_mode = #tpu.pipeline_mode<synchronous>, transform_indices = @transform_2, window_bounds = array<i64: 128, 384>}, {pipeline_mode = #tpu.pipeline_mode<synchronous>, transform_indices = @transform_3, window_bounds = array<i64: 128, 384>}, {pipeline_mode = #tpu.pipeline_mode<synchronous>, transform_indices = @transform_4, window_bounds = array<i64: 1, 384>}, {pipeline_mode = #tpu.pipeline_mode<synchronous>, transform_indices = @transform_5, window_bounds = array<i64: 1, 384>}, {transform_indices = @transform_6, window_bounds = array<i64: 1000, 128>}]} {
    %get3A = arith.constant 0 : index
    %get3A_0 = arith.constant 0 : index
    %get3A_1 = arith.constant 0 : index
    %get3A_2 = vector.load %arg2[%get3A, %get3A_0, %get3A_1] : memref<2x1000x128xf32, #tpu.memory_space<vmem>>, vector<1x1000x128xf32>
    %get3A_3 = vector.shape_cast %get3A_2 : vector<1x1000x128xf32> to vector<1000x128xf32>
    %get3A_4 = arith.constant 1 : index
    %get3A_5 = arith.constant 0 : index
    %get3A_6 = arith.constant 0 : index
    %get3A_7 = vector.load %arg2[%get3A_4, %get3A_5, %get3A_6] : memref<2x1000x128xf32, #tpu.memory_space<vmem>>, vector<1x1000x128xf32>
    %get3A_8 = vector.shape_cast %get3A_7 : vector<1x1000x128xf32> to vector<1000x128xf32>
    %add3A = arith.addf %get3A_3, %get3A_8 : vector<1000x128xf32>
    %get3A_9 = arith.constant 0 : index
    %get3A_10 = arith.constant 0 : index
    %get3A_11 = vector.load %arg1[%get3A_9, %get3A_10] : memref<1000x128xf32, #tpu.memory_space<vmem>>, vector<1000x128xf32>
    %get3A_12 = arith.constant 0 : index
    %get3A_13 = arith.constant 0 : index
    %get3A_14 = vector.load %arg3[%get3A_12, %get3A_13] : memref<128x384xf32, #tpu.memory_space<vmem>>, vector<128x384xf32>
    %dot_general3A = arith.constant dense<0.000000e+00> : vector<1000x384xf32>
    %dot_general3A_15 = tpu.matmul %get3A_11, %get3A_14, %dot_general3A {dimension_numbers = #tpu.dot_dimension_numbers<[1], [0], [0], [1], [0, 0, 1, 1], [], []>, transpose_lhs_hint = false} : vector<1000x128xf32>, vector<128x384xf32>, vector<1000x384xf32> -> vector<1000x384xf32>
    %get3A_16 = arith.constant 0 : index
    %get3A_17 = arith.constant 0 : index
    %get3A_18 = vector.load %arg5[%get3A_16, %get3A_17] : memref<1x384xf32, #tpu.memory_space<vmem>>, vector<1x384xf32>
    %add3A_19 = vector.broadcast %get3A_18 : vector<1x384xf32> to vector<1000x384xf32>
    %add3A_20 = arith.addf %dot_general3A_15, %add3A_19 : vector<1000x384xf32>
    %get3A_21 = arith.constant 0 : index
    %get3A_22 = arith.constant 0 : index
    %get3A_23 = vector.load %arg4[%get3A_21, %get3A_22] : memref<128x384xf32, #tpu.memory_space<vmem>>, vector<128x384xf32>
    %dot_general3A_24 = arith.constant dense<0.000000e+00> : vector<1000x384xf32>
    %dot_general3A_25 = tpu.matmul %add3A, %get3A_23, %dot_general3A_24 {dimension_numbers = #tpu.dot_dimension_numbers<[1], [0], [0], [1], [0, 0, 1, 1], [], []>, transpose_lhs_hint = false} : vector<1000x128xf32>, vector<128x384xf32>, vector<1000x384xf32> -> vector<1000x384xf32>
    %get3A_26 = arith.constant 0 : index
    %get3A_27 = arith.constant 0 : index
    %get3A_28 = vector.load %arg6[%get3A_26, %get3A_27] : memref<1x384xf32, #tpu.memory_space<vmem>>, vector<1x384xf32>
    %add3A_29 = vector.broadcast %get3A_28 : vector<1x384xf32> to vector<1000x384xf32>
    %add3A_30 = arith.addf %dot_general3A_25, %add3A_29 : vector<1000x384xf32>
    %slice3A = vector.extract_strided_slice %add3A_20 {offsets = [0, 0], sizes = [1000, 128], strides = [1, 1]} : vector<1000x384xf32> to vector<1000x128xf32>
    %slice3A_31 = vector.extract_strided_slice %add3A_30 {offsets = [0, 0], sizes = [1000, 128], strides = [1, 1]} : vector<1000x384xf32> to vector<1000x128xf32>
    %add3A_32 = arith.addf %slice3A, %slice3A_31 : vector<1000x128xf32>
    %logistic3A = arith.negf %add3A_32 : vector<1000x128xf32>
    %logistic3A_33 = math.exp %logistic3A : vector<1000x128xf32>
    %logistic3A_34 = arith.constant 1.000000e+00 : f32
    %logistic3A_35 = vector.broadcast %logistic3A_34 : f32 to vector<1000x128xf32>
    %logistic3A_36 = arith.addf %logistic3A_35, %logistic3A_33 : vector<1000x128xf32>
    %logistic3A_37 = arith.divf %logistic3A_35, %logistic3A_36 : vector<1000x128xf32>
    %slice3A_38 = vector.extract_strided_slice %add3A_20 {offsets = [0, 128], sizes = [1000, 128], strides = [1, 1]} : vector<1000x384xf32> to vector<1000x128xf32>
    %slice3A_39 = vector.extract_strided_slice %add3A_30 {offsets = [0, 128], sizes = [1000, 128], strides = [1, 1]} : vector<1000x384xf32> to vector<1000x128xf32>
    %add3A_40 = arith.addf %slice3A_38, %slice3A_39 : vector<1000x128xf32>
    %logistic3A_41 = arith.negf %add3A_40 : vector<1000x128xf32>
    %logistic3A_42 = math.exp %logistic3A_41 : vector<1000x128xf32>
    %logistic3A_43 = arith.constant 1.000000e+00 : f32
    %logistic3A_44 = vector.broadcast %logistic3A_43 : f32 to vector<1000x128xf32>
    %logistic3A_45 = arith.addf %logistic3A_44, %logistic3A_42 : vector<1000x128xf32>
    %logistic3A_46 = arith.divf %logistic3A_44, %logistic3A_45 : vector<1000x128xf32>
    %slice3A_47 = vector.extract_strided_slice %add3A_20 {offsets = [0, 256], sizes = [1000, 128], strides = [1, 1]} : vector<1000x384xf32> to vector<1000x128xf32>
    %slice3A_48 = vector.extract_strided_slice %add3A_30 {offsets = [0, 256], sizes = [1000, 128], strides = [1, 1]} : vector<1000x384xf32> to vector<1000x128xf32>
    %mul3A = arith.mulf %logistic3A_37, %slice3A_48 : vector<1000x128xf32>
    %add3A_49 = arith.addf %slice3A_47, %mul3A : vector<1000x128xf32>
    %tanh3A = math.tanh %add3A_49 : vector<1000x128xf32>
    %sub3A = arith.constant 1.000000e+00 : f32
    %sub3A_50 = vector.broadcast %sub3A : f32 to vector<1000x128xf32>
    %sub3A_51 = arith.subf %sub3A_50, %logistic3A_46 : vector<1000x128xf32>
    %mul3A_52 = arith.mulf %sub3A_51, %tanh3A : vector<1000x128xf32>
    %mul3A_53 = arith.mulf %logistic3A_46, %add3A : vector<1000x128xf32>
    %add3A_54 = arith.addf %mul3A_52, %mul3A_53 : vector<1000x128xf32>
    %swap3A = arith.constant 0 : index
    %swap3A_55 = arith.constant 0 : index
    %swap3A_56 = vector.load %arg7[%swap3A, %swap3A_55] : memref<1000x128xf32, #tpu.memory_space<vmem>>, vector<1000x128xf32>
    tpu.vector_store %arg7[%swap3A, %swap3A_55], %add3A_54 {strides = array<i32>} : memref<1000x128xf32, #tpu.memory_space<vmem>>, vector<1000x128xf32>,
    return
  }
  func.func @transform_0(%arg0: i32) -> (i32, i32) {
    %c0_i32 = arith.constant 0 : i32
    %c0_i32_0 = arith.constant 0 : i32
    return %arg0, %c0_i32 : i32, i32
  }
  func.func @transform_1(%arg0: i32) -> (i32, i32, i32) {
    %c0_i32 = arith.constant 0 : i32
    %c0_i32_0 = arith.constant 0 : i32
    %c0_i32_1 = arith.constant 0 : i32
    return %c0_i32, %arg0, %c0_i32_0 : i32, i32, i32
  }
  func.func @transform_2(%arg0: i32) -> (i32, i32) {
    %c0_i32 = arith.constant 0 : i32
    %c0_i32_0 = arith.constant 0 : i32
    %c0_i32_1 = arith.constant 0 : i32
    return %c0_i32, %c0_i32_0 : i32, i32
  }
  func.func @transform_3(%arg0: i32) -> (i32, i32) {
    %c0_i32 = arith.constant 0 : i32
    %c0_i32_0 = arith.constant 0 : i32
    %c0_i32_1 = arith.constant 0 : i32
    return %c0_i32, %c0_i32_0 : i32, i32
  }
  func.func @transform_4(%arg0: i32) -> (i32, i32) {
    %c0_i32 = arith.constant 0 : i32
    %c0_i32_0 = arith.constant 0 : i32
    %c0_i32_1 = arith.constant 0 : i32
    return %c0_i32, %c0_i32_0 : i32, i32
  }
  func.func @transform_5(%arg0: i32) -> (i32, i32) {
    %c0_i32 = arith.constant 0 : i32
    %c0_i32_0 = arith.constant 0 : i32
    %c0_i32_1 = arith.constant 0 : i32
    return %c0_i32, %c0_i32_0 : i32, i32
  }
  func.func @transform_6(%arg0: i32) -> (i32, i32) {
    %c0_i32 = arith.constant 0 : i32
    %c0_i32_0 = arith.constant 0 : i32
    return %arg0, %c0_i32 : i32, i32
  }
}

</mosaic_0001>

<sc_bundles>
// kernel: kernel.4.cloned.1.call-start
scs
__scs_entry_jumppad:
0x0: {  	(pc) =	sbr.rel $0x88, $3  }
0x1: {  	(tag) =	ssettag $0x0;
	lr =	simm.s32 $0x1  }
0x2: {  	[smem:$0x3F9A] =	sst lr;
	_ =	strace $0xD0000000  }
0x3: {  	_ = 	snop  }
0x4: {  	_ = 	snop  }
0x5: {  	_ = 	snop  }
0x6: {  	_ = 	snop  }
0x7: {  	_ = 	snop  }
__scs_overlays_trampoline_lowered:
0x8: {  	[smem:$0x3FA9] =	sst s0  }
0x9: {  	[smem:$0x3FAA] =	sst s1  }
0xa: {  	[smem:$0x3FAB] =	sst s2  }
0xb: {  	[smem:$0x3FAC] =	sst s3  }
0xc: {  	[smem:$0x3FAD] =	sst s4  }
0xd: {  	[smem:$0x3FAE] =	sst s5  }
0xe: {  	[smem:$0x3FAF] =	sst s6  }
0xf: {  	[smem:$0x3FB0] =	sst s7  }
0x10: {  	[smem:$0x3FB1] =	sst s8  }
0x11: {  	[smem:$0x3FB2] =	sst s9;
	s0 =	simm.s32 @!p0 $0x0  }
0x12: {  	s1 =	sld [smem:$0x3F98];
	s0 =	simm.s32 @p0 $0x1  }
0x13: {  	[smem:$0x3FB3] =	sst s0;
	s0 =	simm.s32 @!p1 $0x0  }
0x14: {  	s2 =	sld [smem:$0x3F97];
	s0 =	simm.s32 @p1 $0x1  }
0x15: {  	[smem:$0x3FB4] =	sst s0;
	s0 =	simm.s32 @!p2 $0x0  }
0x16: {  	s3 =	sld [smem:$0x3FDB];
	s0 =	simm.s32 @p2 $0x1  }
0x17: {  	s4 =	simm.s32 $0x1BF5;
	[smem:$0x3FB6] =	sst s0  }
0x18: {  	s0 =	sld [smem:$0x3F99];
	_ =	swait.ge [sflag:s4], $0x0  }
0x19: {  	s7 =	sld [smem:$0x3F9A]  }
0x1a: {  	s8 =	sadd.s32 $0xFFFFE003, lr  }
0x1b: {  	s9 =	sadd.s32 $0xFFFFFEF7, lr;
	s5 =	simm.s32 $0xFFFFFFFF;
	p2 =	slt.u32 s8, $0xFFFFF086  }
0x1c: {  	p1 =	slt.u32 s9, $0xF7A;
	s5 =	simm.s32 @!p2 $0x0  }
0x1d: {  	s5 =	simm.s32 @p1 $0x1;
	p0 =	seq.s32 s7, s2  }
0x1e: {  	s7 =	smul.u32 @!p0 $0xF7A, s2;
	p2 =	seq.s32 @!p0 s5, $0x0  }
0x1f: {  	s9 =	smul.u32 $0xF7A, s1;
	s8 =	simm.s32 @!p0 $0x1BF5;
	p2 =	por !p2, p0  }
0x20: {  	[sflag:s8] =	ssyncset.s32 @!p0 $0xFFFFF086;
	s6 =	sadd.s32 @!p0 s3, s7;
	s7 =	simm.s32 @!p0 $0x108  }
0x21: {  	s3 =	sadd.s32 s3, s9;
	s6 =	sadd.s32 @!p0 $0x88, s6;
	s7 =	simm.s32 @p2 $0x1082  }
0x22: {  	[simem:s7], [sflag:s8] =	dma.local @!p0 [hbm:s6], $0xF7A  }
0x23: {  	s9 =	sor.u32 $0xD0000000, s2;
	s6 =	simm.s32 $0x108;
	_ =	swait.ge @!p0 [sflag:s8], $0x0  }
0x24: {  	s3 =	sadd.s32 $0x88, s3;
	s6 =	simm.s32 @!p1 $0x1082;
	[sflag:s4] =	ssyncset.s32 $0xFFFFF086  }
0x25: {  	[simem:s6], [sflag:s4] =	dma.local [hbm:s3], $0xF7A  }
0x26: {  	[smem:$0x3F9A] =	sst s1;
	(tag) =	ssettag s2;
	_ =	strace s9  }
0x27: {  	s1 =	sld [smem:$0x3FAA]  }
0x28: {  	s2 =	sld [smem:$0x3FAB]  }
0x29: {  	s4 =	sld [smem:$0x3FAD]  }
0x2a: {  	p0 =	seq.s32 s5, $0x0;
	s5 =	sld [smem:$0x3FAE]  }
0x2b: {  	s6 =	sld [smem:$0x3FAF]  }
0x2c: {  	s7 =	sld [smem:$0x3FB0]  }
0x2d: {  	s3 =	simm.s32 $0x108;
	s8 =	sld [smem:$0x3FB1]  }
0x2e: {  	s3 =	simm.s32 @!p0 $0x1082;
	s9 =	sld [smem:$0x3FB2]  }
0x2f: {  	lr =	sadd.s32 s0, s3;
	s0 =	sld [smem:$0x3FA9]  }
0x30: {  	s3 =	sld [smem:$0x3FAC]  }
0x31: {  	[smem:$0x3FB5] =	sst s10  }
0x32: {  	s10 =	sld [smem:$0x3FB3];
	_ =	sdelay $0x3  }
0x33: {  	p0 =	seq.s32 s10, $0x1;
	s10 =	sld [smem:$0x3FB5];
	_ =	sdelay $0x3  }
0x34: {  	[smem:$0x3FB5] =	sst s10  }
0x35: {  	s10 =	sld [smem:$0x3FB4];
	_ =	sdelay $0x3  }
0x36: {  	p1 =	seq.s32 s10, $0x1;
	s10 =	sld [smem:$0x3FB5];
	_ =	sdelay $0x3  }
0x37: {  	[smem:$0x3FB5] =	sst s10  }
0x38: {  	s10 =	sld [smem:$0x3FB6]  }
0x39: {  	_ = 	snop;
	(pc) =	sbr.ind lr, $3  }
0x3a: {  	_ = 	snop  }
0x3b: {  	_ = 	snop  }
0x3c: {  	p2 =	seq.s32 s10, $0x1;
	s10 =	sld [smem:$0x3FB5]  }
0x3d: {  	_ =	shalt  }
0x3e: {  	_ =	shalt  }
0x3f: {  	_ =	shalt  }
0x40: {  	_ =	shalt  }
0x41: {  	_ =	shalt  }
0x42: {  	_ =	shalt  }
0x43: {  	_ =	shalt  }
0x44: {  	_ =	shalt  }
0x45: {  	_ =	shalt  }
0x46: {  	_ =	shalt  }
0x47: {  	_ =	shalt  }
0x48: {  	_ =	shalt  }
0x49: {  	_ =	shalt  }
0x4a: {  	_ =	shalt  }
0x4b: {  	_ =	shalt  }
0x4c: {  	_ =	shalt  }
0x4d: {  	_ =	shalt  }
0x4e: {  	_ =	shalt  }
0x4f: {  	_ =	shalt  }
0x50: {  	_ =	shalt  }
0x51: {  	_ =	shalt  }
0x52: {  	_ =	shalt  }
0x53: {  	_ =	shalt  }
0x54: {  	_ =	shalt  }
0x55: {  	_ =	shalt  }
0x56: {  	_ =	shalt  }
0x57: {  	_ =	shalt  }
0x58: {  	_ =	shalt  }
0x59: {  	_ =	shalt  }
0x5a: {  	_ =	shalt  }
0x5b: {  	_ =	shalt  }
0x5c: {  	_ =	shalt  }
0x5d: {  	_ =	shalt  }
0x5e: {  	_ =	shalt  }
0x5f: {  	_ =	shalt  }
0x60: {  	_ =	shalt  }
0x61: {  	_ =	shalt  }
0x62: {  	_ =	shalt  }
0x63: {  	_ =	shalt  }
0x64: {  	_ =	shalt  }
0x65: {  	_ =	shalt  }
0x66: {  	_ =	shalt  }
0x67: {  	_ =	shalt  }
0x68: {  	_ =	shalt  }
0x69: {  	_ =	shalt  }
0x6a: {  	_ =	shalt  }
0x6b: {  	_ =	shalt  }
0x6c: {  	_ =	shalt  }
0x6d: {  	_ =	shalt  }
0x6e: {  	_ =	shalt  }
0x6f: {  	_ =	shalt  }
0x70: {  	_ =	shalt  }
0x71: {  	_ =	shalt  }
0x72: {  	_ =	shalt  }
0x73: {  	_ =	shalt  }
0x74: {  	_ =	shalt  }
0x75: {  	_ =	shalt  }
0x76: {  	_ =	shalt  }
0x77: {  	_ =	shalt  }
0x78: {  	_ =	shalt  }
0x79: {  	_ =	shalt  }
0x7a: {  	_ =	shalt  }
0x7b: {  	_ =	shalt  }
0x7c: {  	_ =	shalt  }
0x7d: {  	_ =	shalt  }
0x7e: {  	_ =	shalt  }
0x7f: {  	_ =	shalt  }
0x80: {  	_ =	shalt  }
0x81: {  	_ =	shalt  }
0x82: {  	_ =	shalt  }
0x83: {  	_ =	shalt  }
0x84: {  	_ =	shalt  }
0x85: {  	_ =	shalt  }
0x86: {  	_ =	shalt  }
0x87: {  	_ =	shalt  }
.Lfunc_end0:
.L_simem_size_0:
called_computation_lowered:
.L_overlay_start_0:
0x88: {  	s2 =	sld [smem:$0x3FD9]  }
0x89: {  	s3 =	sld [smem:$0x3FFE];
	_ =	sdelay $0x1  }
0x8a: {  	s1 =	srdreg.scid  }
0x8b: {  	s0 =	sand.u32 $0x1, s1  }
0x8c: {  	s17 =	sshll.u32 s0, $0xA;
	s2 =	sadd.s32 s3, s2  }
0x8d: {  	s2 =	sadd.s32 s2, s17  }
0x8e: {  	[smem:$0x3FC1] =	sst s2  }
0x8f: {  	_ = 	snop  }
0x90: {  	s2 =	sld [smem:$0x3FD0];
	(tm) =	ssettm $0x1  }
0x91: {  	s18 =	sld [smem:$0x3FFB];
	_ =	sdelay $0x3  }
0x92: {  	_ =	strace s18  }
0x93: {  	s3 =	sld [smem:$0x3FFC];
	_ =	sdelay $0x3  }
0x94: {  	_ =	strace s3  }
0x95: {  	s3 =	sld [smem:$0x3FFD];
	_ =	sdelay $0x3  }
0x96: {  	_ =	strace s3  }
0x97: {  	_ =	strace $0x8FFFFFFF  }
0x98: {  	s19 =	sld [smem:$0x3FDB];
	_ =	sdelay $0x1  }
0x99: {  	s4 =	simm.s32 $_scs_section_size  }
0x9a: {  	s5 =	simm.s32 $_size__tile_overlayer_lowered;
	s6 =	simm.s32 $_tile_overlayer_lowered  }
0x9b: {  	s22 =	simm.s32 $0x1BFF;
	s21 =	sshll.u32 s6, $0x1;
	s3 =	sadd.s32 s4, s19  }
0x9c: {  	s7 =	simm.s32 $0x0;
	s20 =	sshll.u32 s5, $0x1;
	s5 =	sadd.s32 s21, s3  }
0x9d: {  	[timem:s7], [sflag:s22] =	dma.local [hbm:s5], s20  }
0x9e: {  	_ =	swait.ge [sflag:s22], s20  }
0x9f: {  	s4 =	ssub.s32 $0x0, s20;
	[sflag:s22] =	ssyncset.done $0x0  }
0xa0: {  	[sflag:s22] =	ssyncadd.s32 s4;
	_ =	sdelay $0x1  }
0xa1: {  	s23 =	simm.s32 $0x1B8B  }
0xa2: {  	_ =	swait.ge [sflag:s23], $0x1  }
0xa3: {  	[sflag:s23] =	ssyncset.done $0x0  }
0xa4: {  	s25 =	simm.s32 $0x1B8E;
	s24 =	sld [smem:$0x3FFE];
	[sflag:s23] =	ssyncadd.s32 $0xFFFFFFFF  }
0xa5: {  	s26 =	simm.s32 $execute0_lowered;
	[smem:$0x3FD2] =	sst s25  }
0xa6: {  	s5 =	sshll.u32 s26, $0x1;
	_ =	strace $0x80000046;
	[dreg:$0x1] =	wrdreg $0xFFFFFFFF  }
0xa7: {  	s28 =	simm.s32 $_size_execute0_lowered;
	s3 =	sadd.s32 s3, s5;
	[dreg:$0x0] =	wrdreg $0x0  }
0xa8: {  	s5 =	sshll.u32 s28, $0x1;
	[dreg:$0x2] =	wrdreg s3  }
0xa9: {  	[dreg:$0x3] =	wrdreg s5  }
0xaa: {  	[dreg:$0x4] =	wrdreg $0xC0  }
0xab: {  	_ =	task [dreg:s7], $0x5FFFF  }
0xac: {  	[dreg:$0x1] =	wrdreg $0xFFFFFFFF  }
0xad: {  	[dreg:$0x0] =	wrdreg $0x60  }
0xae: {  	[dreg:$0x2] =	wrdreg s24  }
0xaf: {  	[dreg:$0x3] =	wrdreg s2  }
0xb0: {  	[dreg:$0x4] =	wrdreg $0xA8000  }
0xb1: {  	[dreg:$0x5] =	wrdreg $0x9  }
0xb2: {  	_ =	task.clear_ibuf [dreg:s7], $0x6FFFF;
	_ =	strace $0x90000046  }
0xb3: {  	s29 =	simm.s32 $0x9;
	_ =	strace $0x80000048  }
0xb4: {  	_ =	swait.ge [sflag:s29], $0x1  }
0xb5: {  	[sflag:s29] =	ssyncadd.s32 $0xFFFFFFFF  }
0xb6: {  	_ =	strace $0x90000048  }
0xb7: {  	_ =	sfence  }
0xb8: {  	s30 =	sld [smem:$0x0];
	_ =	sdelay $0x2  }
0xb9: {  	s31 =	sshll.u32 s1, $0xD;
	s1 =	sshrl.u32 s1, $0x2  }
0xba: {  	s3 =	sand.u32 $0x4000, s31;
	s1 =	sadd.s32 s1, s30  }
0xbb: {  	s0 =	sor.u32 s3, s0;
	s1 =	sshll.u32 s1, $0x11  }
0xbc: {  	s0 =	sor.u32 s1, s0  }
0xbd: {  	s0 =	sadd.s32 $0x8F2B, s0  }
0xbe: {  	[sflag:s0] =	ssyncadd.remote.s32 $0x1  }
0xbf: {  	_ =	sfence.sel $0xFFFF  }
0xc0: {  	[dreg:$0x0] =	wrdreg $0xFFFFFFFF;
	(pc) =	sbr.abs _section_cstart, $3  }
0xc1: {  	[dreg:$0x1] =	wrdreg $0xFFFFFFFF  }
0xc2: {  	_ =	task.clear_ibuf [dreg:s7], $0x2FFFF;
	_ =	strace $0x9FFFFFFF  }
0xc3: {  	(tm) =	ssettm $0x7FFFFFFF  }
tec
execute0_lowered:
.L_overlay_start_1:
0x0: {  	(tag) =	ssettag $0x1  }
0x1: {  	s0 =	rddreg [dreg:$0x0]  }
0x2: {  	s1 =	rddreg [dreg:$0x1]  }
0x3: {  	s4 =	rddreg [dreg:$0x2]  }
0x4: {  	s12 =	stileid.u32;
	s3 =	srdreg.scid  }
0x5: {  	s2 =	simm.s32 $0x0;
	s28 =	simm.s32 $0x6800;
	s29 =	simm.s32 $0x7000  }
0x6: {  	s30 =	simm.s32 $0x7800;
	s31 =	simm.s32 $0x8000;
	s5 =	smul.u32 $0x13C00, s12  }
0x7: {  	s6 =	sand.u32 $0x1, s3;
	[smem:$0x7FF] =	sst s2;
	s3 =	sadd.s32 $0x15600, s0  }
0x8: {  	s9 =	sadd.s32 $0x1600, s0;
	s10 =	smul.u32 $0x4F000, s12;
	s20 =	sshll.u32 s12, $0x6  }
0x9: {  	s7 =	smul.u32 $0x13C000, s6;
	_ =	strace $0x80000047;
	s15 =	sshll.u32 s6, $0x4  }
0xa: {  	s16 =	ssub.s32 $0x2, s6;
	s8 =	sshrl.u32 s5, $0x3;
	s17 =	sor.u32 s12, s15  }
0xb: {  	s18 =	sshrl.u32 s16, $0x1;
	s10 =	sshrl.u32 s10, $0x2;
	s8 =	sadd.s32 s8, s0  }
0xc: {  	s5 =	sadd.s32 s5, s7;
	s11 =	smul.u32 $0x5000, s17;
	s7 =	ssub.s32 s16, s18  }
0xd: {  	s4 =	sadd.s32 s10, s4;
	s6 =	smul.u32 $0xA00, s17;
	s17 =	simm.s32 $0x3  }
0xe: {  	s18 =	simm.s32 $0x1400;
	s5 =	sshrl.u32 s5, $0x3;
	s19 =	sadd.s32 $0x63800, s8  }
0xf: {  	s15 =	smax.u32 s7, $0x1;
	s16 =	sshrl.u32 s4, $0x3;
	s4 =	simm.s32 $0x9800  }
0x10: {  	s7 =	simm.s32 $0x1;
	s0 =	sadd.s32 s5, s0;
	[dreg:$0x4] =	wrdreg s19  }
0x11: {  	s21 =	sshrl.u32 s11, $0x3;
	s5 =	sor.u32 $0x1C03, s20;
	s22 =	sadd.s32 s1, s6  }
0x12: {  	s6 =	sadd.s32 s9, s6;
	s19 =	simm.s32 $0x2800;
	[dreg:$0x5] =	wrdreg s22  }
0x13: {  	s20 =	simm.s32 $0x3000;
	s23 =	sadd.s32 $0x280, s21;
	[dreg:$0x6] =	wrdreg s6  }
0x14: {  	s25 =	sadd.s32 $0x500, s21;
	s8 =	sadd.s32 $0x780, s21;
	s14 =	sadd.s32 $0x8B000, s0  }
0x15: {  	s21 =	simm.s32 $0x3800;
	s22 =	simm.s32 $0x4000;
	s0 =	simm.s32 $0x8800  }
0x16: {  	s24 =	sadd.s32 s1, s23;
	s10 =	sadd.s32 s9, s23;
	s26 =	sadd.s32 s1, s25  }
0x17: {  	s6 =	sadd.s32 s9, s25;
	s12 =	sadd.s32 s1, s8;
	[dreg:$0x7] =	wrdreg s24  }
0x18: {  	s13 =	sadd.s32 s9, s8;
	s23 =	simm.s32 $0x4800;
	[dreg:$0x8] =	wrdreg s10  }
0x19: {  	v2 =	vlaneseq.u32;
	s25 =	simm.s32 $0x5800;
	s1 =	simm.s32 $0x9000;
	[dreg:$0x9] =	wrdreg s26  }
0x1a: {  	vm0 =	vmmov $0xffff;
	v1 =	vshrl.u32 v2, $0x3;
	s8 =	simm.s32 $0x2;
	s9 =	simm.s32 $0x0;
	[dreg:$0xa] =	wrdreg s6  }
0x1b: {  	v0 =	vand.u32 $0x7, v2;
	v2 =	vor.u32 $0x8, v2;
	v1 =	vmul.u32 $0x8, v1;
	s24 =	simm.s32 $0x5000;
	s26 =	simm.s32 $0x6000;
	s6 =	simm.s32 $0xA000  }
.LBB2_1:
0x1c: {  	s10 =	rddreg [dreg:$0x4]  }
0x1d: {  	[spmem:s16], [sflag:s5] =	dma.local [hbm:s10], $0x2780  }
0x1e: {  	_ =	swait.ge [sflag:s17], $0x2780  }
0x1f: {  	[sflag:s17] =	ssyncset.done $0x0  }
0x20: {  	s11 =	rddreg [dreg:$0x5];
	[sflag:s17] =	ssyncadd.s32 $0xFFFFD880  }
0x21: {  	[tilespmem:s2], [sflag:$0x3] =	stream.linear.gather [hbm4b:s11+s2], $0x1400, $0x38;
	[tilespmem:$0x1E400] =	vst v63  }
0x22: {  	_ =	swait.ge [sflag:s17], $0x1400  }
0x23: {  	[sflag:s17] =	ssyncset.done $0x0  }
0x24: {  	s11 =	rddreg [dreg:$0x6];
	[sflag:s17] =	ssyncadd.s32 $0xFFFFEC00  }
0x25: {  	[tilespmem:s18], [sflag:$0x3] =	stream.linear.gather [hbm4b:s11+s2], $0x1400, $0x38;
	[tilespmem:$0x1E400] =	vst v63  }
0x26: {  	_ =	swait.ge [sflag:s17], $0x1400  }
0x27: {  	[sflag:s17] =	ssyncset.done $0x0  }
0x28: {  	[sflag:s17] =	ssyncadd.s32 $0xFFFFEC00  }
0x29: {  	[bflag:$0x0] =	sbarrier.arrive $0xFFFF  }
0x2a: {  	v3 =	vld [tilespmem:$0x0];
	_ =	sdelay $0x4  }
0x2b: {  	v4 =	vshll.u32 v3, $0x1  }
0x2c: {  	v3 =	vand.u32 $0x7, v3;
	v4 =	vand.u32 $0xFFFFFFF0, v4  }
0x2d: {  	v3 =	vor.u32 v3, v4  }
0x2e: {  	v4 =	vperm.xlane v3, v0;
	_ =	sdelay $0x1  }
0x2f: {  	v3 =	vperm.xlane v3, v2;
	v4 =	vadd.s32 v1, v4;
	_ =	sdelay $0x1  }
0x30: {  	v3 =	vadd.s32 v1, v3;
	_ =	sdelay $0x2  }
0x31: {  	[tilespmem:s19], [sflag:$0x1] =	stream.indirect_vreg.gather [hbm4b:s3+s2], $0x80, v4, vm0, $0xb8;
	[tilespmem:$0x1E400] =	vst v63  }
0x32: {  	_ = 	snop  }
0x33: {  	[tilespmem:s20], [sflag:$0x1] =	stream.indirect_vreg.gather [hbm4b:s3+s2], $0x80, v3, vm0, $0xb8;
	[tilespmem:$0x1E400] =	vst v63  }
0x34: {  	v3 =	vld [tilespmem:$0x10];
	_ =	sdelay $0x4  }
0x35: {  	v57 =	vshll.u32 v3, $0x1  }
0x36: {  	v3 =	vand.u32 $0x7, v3;
	v4 =	vand.u32 $0xFFFFFFF0, v57  }
0x37: {  	v3 =	vor.u32 v3, v4  }
0x38: {  	v4 =	vperm.xlane v3, v0;
	_ =	sdelay $0x1  }
0x39: {  	v3 =	vperm.xlane v3, v2;
	v4 =	vadd.s32 v1, v4;
	_ =	sdelay $0x1  }
0x3a: {  	v3 =	vadd.s32 v1, v3;
	_ =	sdelay $0x2  }
0x3b: {  	[tilespmem:s21], [sflag:$0x1] =	stream.indirect_vreg.gather [hbm4b:s3+s2], $0x80, v4, vm0, $0xb8;
	[tilespmem:$0x1E400] =	vst v63  }
0x3c: {  	_ = 	snop  }
0x3d: {  	[tilespmem:s22], [sflag:$0x1] =	stream.indirect_vreg.gather [hbm4b:s3+s2], $0x80, v3, vm0, $0xb8;
	[tilespmem:$0x1E400] =	vst v63  }
0x3e: {  	v3 =	vld [tilespmem:$0x20];
	_ =	sdelay $0x4  }
0x3f: {  	v58 =	vshll.u32 v3, $0x1  }
0x40: {  	v3 =	vand.u32 $0x7, v3;
	v4 =	vand.u32 $0xFFFFFFF0, v58  }
0x41: {  	v3 =	vor.u32 v3, v4  }
0x42: {  	v4 =	vperm.xlane v3, v0;
	_ =	sdelay $0x1  }
0x43: {  	v3 =	vperm.xlane v3, v2;
	v4 =	vadd.s32 v1, v4;
	_ =	sdelay $0x1  }
0x44: {  	v3 =	vadd.s32 v1, v3;
	_ =	sdelay $0x2  }
0x45: {  	[tilespmem:s23], [sflag:$0x1] =	stream.indirect_vreg.gather [hbm4b:s3+s2], $0x80, v4, vm0, $0xb8;
	[tilespmem:$0x1E400] =	vst v63  }
0x46: {  	_ = 	snop  }
0x47: {  	[tilespmem:s24], [sflag:$0x1] =	stream.indirect_vreg.gather [hbm4b:s3+s2], $0x80, v3, vm0, $0xb8;
	[tilespmem:$0x1E400] =	vst v63  }
0x48: {  	v3 =	vld [tilespmem:$0x30];
	_ =	sdelay $0x4  }
0x49: {  	v59 =	vshll.u32 v3, $0x1  }
0x4a: {  	v3 =	vand.u32 $0x7, v3;
	v4 =	vand.u32 $0xFFFFFFF0, v59  }
0x4b: {  	v3 =	vor.u32 v3, v4  }
0x4c: {  	v4 =	vperm.xlane v3, v0;
	_ =	sdelay $0x1  }
0x4d: {  	v3 =	vperm.xlane v3, v2;
	v4 =	vadd.s32 v1, v4;
	_ =	sdelay $0x1  }
0x4e: {  	v3 =	vadd.s32 v1, v3;
	_ =	sdelay $0x2  }
0x4f: {  	[tilespmem:s25], [sflag:$0x1] =	stream.indirect_vreg.gather [hbm4b:s3+s2], $0x80, v4, vm0, $0xb8;
	[tilespmem:$0x1E400] =	vst v63  }
0x50: {  	_ = 	snop  }
0x51: {  	[tilespmem:s26], [sflag:$0x1] =	stream.indirect_vreg.gather [hbm4b:s3+s2], $0x80, v3, vm0, $0xb8;
	[tilespmem:$0x1E400] =	vst v63  }
0x52: {  	v3 =	vld [tilespmem:$0x80];
	_ =	sdelay $0x4  }
0x53: {  	v60 =	vshll.u32 v3, $0x1  }
0x54: {  	v3 =	vand.u32 $0x7, v3;
	v4 =	vand.u32 $0xFFFFFFF0, v60  }
0x55: {  	v3 =	vor.u32 v3, v4  }
0x56: {  	v4 =	vperm.xlane v3, v0;
	_ =	sdelay $0x1  }
0x57: {  	v3 =	vperm.xlane v3, v2;
	v4 =	vadd.s32 v1, v4;
	_ =	sdelay $0x1  }
0x58: {  	v3 =	vadd.s32 v1, v3;
	_ =	sdelay $0x2  }
0x59: {  	[tilespmem:s28], [sflag:$0x2] =	stream.indirect_vreg.gather [hbm4b:s3+s2], $0x80, v4, vm0, $0xb8;
	[tilespmem:$0x1E400] =	vst v63  }
0x5a: {  	_ = 	snop  }
0x5b: {  	[tilespmem:s29], [sflag:$0x2] =	stream.indirect_vreg.gather [hbm4b:s3+s2], $0x80, v3, vm0, $0xb8;
	[tilespmem:$0x1E400] =	vst v63  }
0x5c: {  	v3 =	vld [tilespmem:$0x90];
	_ =	sdelay $0x4  }
0x5d: {  	v61 =	vshll.u32 v3, $0x1  }
0x5e: {  	v3 =	vand.u32 $0x7, v3;
	v4 =	vand.u32 $0xFFFFFFF0, v61  }
0x5f: {  	v3 =	vor.u32 v3, v4  }
0x60: {  	v4 =	vperm.xlane v3, v0;
	_ =	sdelay $0x1  }
0x61: {  	v3 =	vperm.xlane v3, v2;
	v4 =	vadd.s32 v1, v4;
	_ =	sdelay $0x1  }
0x62: {  	v3 =	vadd.s32 v1, v3;
	_ =	sdelay $0x2  }
0x63: {  	[tilespmem:s30], [sflag:$0x2] =	stream.indirect_vreg.gather [hbm4b:s3+s2], $0x80, v4, vm0, $0xb8;
	[tilespmem:$0x1E400] =	vst v63  }
0x64: {  	_ = 	snop  }
0x65: {  	[tilespmem:s31], [sflag:$0x2] =	stream.indirect_vreg.gather [hbm4b:s3+s2], $0x80, v3, vm0, $0xb8;
	[tilespmem:$0x1E400] =	vst v63  }
0x66: {  	v3 =	vld [tilespmem:$0xA0];
	_ =	sdelay $0x4  }
0x67: {  	v62 =	vshll.u32 v3, $0x1  }
0x68: {  	v3 =	vand.u32 $0x7, v3;
	v4 =	vand.u32 $0xFFFFFFF0, v62  }
0x69: {  	v3 =	vor.u32 v3, v4  }
0x6a: {  	v4 =	vperm.xlane v3, v0;
	_ =	sdelay $0x1  }
0x6b: {  	v3 =	vperm.xlane v3, v2;
	v4 =	vadd.s32 v1, v4;
	_ =	sdelay $0x1  }
0x6c: {  	v3 =	vadd.s32 v1, v3;
	_ =	sdelay $0x2  }
0x6d: {  	[tilespmem:s0], [sflag:$0x2] =	stream.indirect_vreg.gather [hbm4b:s3+s2], $0x80, v4, vm0, $0xb8;
	[tilespmem:$0x1E400] =	vst v63  }
0x6e: {  	_ = 	snop  }
0x6f: {  	[tilespmem:s1], [sflag:$0x2] =	stream.indirect_vreg.gather [hbm4b:s3+s2], $0x80, v3, vm0, $0xb8;
	[tilespmem:$0x1E400] =	vst v63  }
0x70: {  	v3 =	vld [tilespmem:$0xB0];
	_ =	sdelay $0x4  }
0x71: {  	v63 =	vshll.u32 v3, $0x1  }
0x72: {  	v3 =	vand.u32 $0x7, v3;
	v4 =	vand.u32 $0xFFFFFFF0, v63  }
0x73: {  	v3 =	vor.u32 v3, v4  }
0x74: {  	v4 =	vperm.xlane v3, v0;
	_ =	sdelay $0x1  }
0x75: {  	v3 =	vperm.xlane v3, v2;
	v4 =	vadd.s32 v1, v4;
	_ =	sdelay $0x1  }
0x76: {  	v3 =	vadd.s32 v1, v3;
	_ =	sdelay $0x2  }
0x77: {  	[tilespmem:s4], [sflag:$0x2] =	stream.indirect_vreg.gather [hbm4b:s3+s2], $0x80, v4, vm0, $0xb8;
	[tilespmem:$0x1E400] =	vst v63  }
0x78: {  	_ = 	snop  }
0x79: {  	[tilespmem:s6], [sflag:$0x2] =	stream.indirect_vreg.gather [hbm4b:s3+s2], $0x80, v3, vm0, $0xb8;
	[tilespmem:$0x1E400] =	vst v63  }
0x7a: {  	_ =	swait.ge [sflag:s7], $0x4000  }
0x7b: {  	[sflag:s7] =	ssyncset.done $0x0  }
0x7c: {  	s10 =	simm.s32 $0x6C0;
	[sflag:s7] =	ssyncadd.s32 $0xFFFFC000  }
.LBB2_2:
0x7d: {  	s11 =	sshra.s32 s10, $0x2  }
0x7e: {  	v3 =	vld [tilespmem:s11+$0xFFFFFF50];
	_ =	sdelay $0x4  }
0x7f: {  	v4 =	vshll.u32 v3, $0x1  }
0x80: {  	v3 =	vand.u32 $0x7, v3;
	v4 =	vand.u32 $0xFFFFFFF0, v4  }
0x81: {  	v3 =	vor.u32 v3, v4  }
0x82: {  	v4 =	vperm.xlane v3, v0;
	_ =	sdelay $0x1  }
0x83: {  	v3 =	vperm.xlane v3, v2;
	v4 =	vadd.s32 v1, v4;
	_ =	sdelay $0x1  }
0x84: {  	v3 =	vadd.s32 v1, v3;
	_ =	sdelay $0x2  }
0x85: {  	[tilespmem:s19], [sflag:$0x1] =	stream.indirect_vreg.gather [hbm4b:s3+s2], $0x80, v4, vm0, $0xb8;
	[tilespmem:$0x1E400] =	vst v63  }
0x86: {  	_ = 	snop  }
0x87: {  	[tilespmem:s20], [sflag:$0x1] =	stream.indirect_vreg.gather [hbm4b:s3+s2], $0x80, v3, vm0, $0xb8;
	[tilespmem:$0x1E400] =	vst v63  }
0x88: {  	v3 =	vld [tilespmem:s11+$0xFFFFFF60];
	_ =	sdelay $0x4  }
0x89: {  	v57 =	vshll.u32 v3, $0x1  }
0x8a: {  	v3 =	vand.u32 $0x7, v3;
	v4 =	vand.u32 $0xFFFFFFF0, v57  }
0x8b: {  	v3 =	vor.u32 v3, v4  }
0x8c: {  	v4 =	vperm.xlane v3, v0;
	_ =	sdelay $0x1  }
0x8d: {  	v3 =	vperm.xlane v3, v2;
	v4 =	vadd.s32 v1, v4;
	_ =	sdelay $0x1  }
0x8e: {  	v3 =	vadd.s32 v1, v3;
	_ =	sdelay $0x2  }
0x8f: {  	[tilespmem:s21], [sflag:$0x1] =	stream.indirect_vreg.gather [hbm4b:s3+s2], $0x80, v4, vm0, $0xb8;
	[tilespmem:$0x1E400] =	vst v63  }
0x90: {  	_ = 	snop  }
0x91: {  	[tilespmem:s22], [sflag:$0x1] =	stream.indirect_vreg.gather [hbm4b:s3+s2], $0x80, v3, vm0, $0xb8;
	[tilespmem:$0x1E400] =	vst v63  }
0x92: {  	v3 =	vld [tilespmem:s11+$0xFFFFFF70];
	_ =	sdelay $0x4  }
0x93: {  	v58 =	vshll.u32 v3, $0x1  }
0x94: {  	v3 =	vand.u32 $0x7, v3;
	v4 =	vand.u32 $0xFFFFFFF0, v58  }
0x95: {  	v3 =	vor.u32 v3, v4  }
0x96: {  	v4 =	vperm.xlane v3, v0;
	_ =	sdelay $0x1  }
0x97: {  	v3 =	vperm.xlane v3, v2;
	v4 =	vadd.s32 v1, v4;
	_ =	sdelay $0x1  }
0x98: {  	v3 =	vadd.s32 v1, v3;
	_ =	sdelay $0x2  }
0x99: {  	[tilespmem:s23], [sflag:$0x1] =	stream.indirect_vreg.gather [hbm4b:s3+s2], $0x80, v4, vm0, $0xb8;
	[tilespmem:$0x1E400] =	vst v63  }
0x9a: {  	_ = 	snop  }
0x9b: {  	[tilespmem:s24], [sflag:$0x1] =	stream.indirect_vreg.gather [hbm4b:s3+s2], $0x80, v3, vm0, $0xb8;
	[tilespmem:$0x1E400] =	vst v63  }
0x9c: {  	v3 =	vld [tilespmem:s11+$0xFFFFFF80];
	_ =	sdelay $0x4  }
0x9d: {  	v59 =	vshll.u32 v3, $0x1  }
0x9e: {  	v3 =	vand.u32 $0x7, v3;
	v4 =	vand.u32 $0xFFFFFFF0, v59  }
0x9f: {  	v3 =	vor.u32 v3, v4  }
0xa0: {  	v4 =	vperm.xlane v3, v0;
	_ =	sdelay $0x1  }
0xa1: {  	v3 =	vperm.xlane v3, v2;
	v4 =	vadd.s32 v1, v4;
	_ =	sdelay $0x1  }
0xa2: {  	v3 =	vadd.s32 v1, v3;
	_ =	sdelay $0x2  }
0xa3: {  	[tilespmem:s25], [sflag:$0x1] =	stream.indirect_vreg.gather [hbm4b:s3+s2], $0x80, v4, vm0, $0xb8;
	[tilespmem:$0x1E400] =	vst v63  }
0xa4: {  	_ = 	snop  }
0xa5: {  	[tilespmem:s26], [sflag:$0x1] =	stream.indirect_vreg.gather [hbm4b:s3+s2], $0x80, v3, vm0, $0xb8;
	[tilespmem:$0x1E400] =	vst v63  }
0xa6: {  	_ =	swait.ge [sflag:s8], $0x4000  }
0xa7: {  	[sflag:s8] =	ssyncset.done $0x0  }
0xa8: {  	[sflag:s8] =	ssyncadd.s32 $0xFFFFC000  }
0xa9: {  	v3 =	vld [tilespmem:s11+$0xFFFFFFD0];
	_ =	sdelay $0x4  }
0xaa: {  	v60 =	vshll.u32 v3, $0x1  }
0xab: {  	v3 =	vand.u32 $0x7, v3;
	v4 =	vand.u32 $0xFFFFFFF0, v60  }
0xac: {  	v3 =	vor.u32 v3, v4  }
0xad: {  	v4 =	vperm.xlane v3, v0;
	_ =	sdelay $0x1  }
0xae: {  	v3 =	vperm.xlane v3, v2;
	v4 =	vadd.s32 v1, v4;
	_ =	sdelay $0x1  }
0xaf: {  	v3 =	vadd.s32 v1, v3;
	_ =	sdelay $0x2  }
0xb0: {  	[tilespmem:s28], [sflag:$0x2] =	stream.indirect_vreg.gather [hbm4b:s3+s2], $0x80, v4, vm0, $0xb8;
	[tilespmem:$0x1E400] =	vst v63  }
0xb1: {  	_ = 	snop  }
0xb2: {  	[tilespmem:s29], [sflag:$0x2] =	stream.indirect_vreg.gather [hbm4b:s3+s2], $0x80, v3, vm0, $0xb8;
	[tilespmem:$0x1E400] =	vst v63  }
0xb3: {  	v3 =	vld [tilespmem:s11+$0xFFFFFFE0];
	_ =	sdelay $0x4  }
0xb4: {  	v61 =	vshll.u32 v3, $0x1  }
0xb5: {  	v3 =	vand.u32 $0x7, v3;
	v4 =	vand.u32 $0xFFFFFFF0, v61  }
0xb6: {  	v3 =	vor.u32 v3, v4  }
0xb7: {  	v4 =	vperm.xlane v3, v0;
	_ =	sdelay $0x1  }
0xb8: {  	v3 =	vperm.xlane v3, v2;
	v4 =	vadd.s32 v1, v4;
	_ =	sdelay $0x1  }
0xb9: {  	v3 =	vadd.s32 v1, v3;
	_ =	sdelay $0x2  }
0xba: {  	[tilespmem:s30], [sflag:$0x2] =	stream.indirect_vreg.gather [hbm4b:s3+s2], $0x80, v4, vm0, $0xb8;
	[tilespmem:$0x1E400] =	vst v63  }
0xbb: {  	_ = 	snop  }
0xbc: {  	[tilespmem:s31], [sflag:$0x2] =	stream.indirect_vreg.gather [hbm4b:s3+s2], $0x80, v3, vm0, $0xb8;
	[tilespmem:$0x1E400] =	vst v63  }
0xbd: {  	v3 =	vld [tilespmem:s11+$0xFFFFFFF0];
	_ =	sdelay $0x4  }
0xbe: {  	v62 =	vshll.u32 v3, $0x1  }
0xbf: {  	v3 =	vand.u32 $0x7, v3;
	v4 =	vand.u32 $0xFFFFFFF0, v62  }
0xc0: {  	v3 =	vor.u32 v3, v4  }
0xc1: {  	v4 =	vperm.xlane v3, v0;
	_ =	sdelay $0x1  }
0xc2: {  	v3 =	vperm.xlane v3, v2;
	v4 =	vadd.s32 v1, v4;
	_ =	sdelay $0x1  }
0xc3: {  	v3 =	vadd.s32 v1, v3;
	_ =	sdelay $0x2  }
0xc4: {  	[tilespmem:s0], [sflag:$0x2] =	stream.indirect_vreg.gather [hbm4b:s3+s2], $0x80, v4, vm0, $0xb8;
	[tilespmem:$0x1E400] =	vst v63  }
0xc5: {  	_ = 	snop  }
0xc6: {  	[tilespmem:s1], [sflag:$0x2] =	stream.indirect_vreg.gather [hbm4b:s3+s2], $0x80, v3, vm0, $0xb8;
	[tilespmem:$0x1E400] =	vst v63  }
0xc7: {  	v3 =	vld [tilespmem:s11+$0x0];
	_ =	sdelay $0x4  }
0xc8: {  	v63 =	vshll.u32 v3, $0x1  }
0xc9: {  	v3 =	vand.u32 $0x7, v3;
	v4 =	vand.u32 $0xFFFFFFF0, v63  }
0xca: {  	v3 =	vor.u32 v3, v4  }
0xcb: {  	v4 =	vperm.xlane v3, v0;
	_ =	sdelay $0x1  }
0xcc: {  	v3 =	vperm.xlane v3, v2;
	v4 =	vadd.s32 v1, v4;
	_ =	sdelay $0x1  }
0xcd: {  	v3 =	vadd.s32 v1, v3;
	_ =	sdelay $0x1  }
0xce: {  	p0 =	sne.s32 s10, $0x4EC0  }
0xcf: {  	[tilespmem:s4], [sflag:$0x2] =	stream.indirect_vreg.gather [hbm4b:s3+s2], $0x80, v4, vm0, $0xb8;
	[tilespmem:$0x1E400] =	vst v63  }
.Ltmp0:
0xd0: {  	_ = 	snop;
	(pc) =	sbr.rel @p0 .LBB2_2-.Ltmp0, $4  }
0xd1: {  	[tilespmem:s6], [sflag:$0x2] =	stream.indirect_vreg.gather [hbm4b:s3+s2], $0x80, v3, vm0, $0xb8;
	[tilespmem:$0x1E400] =	vst v63  }
0xd2: {  	_ =	swait.ge [sflag:s7], $0x4000  }
0xd3: {  	[sflag:s7] =	ssyncset.done $0x0  }
0xd4: {  	s10 =	sadd.s32 $0x400, s10;
	[sflag:s7] =	ssyncadd.s32 $0xFFFFC000  }
0xd5: {  	_ =	swait.ge [sflag:s8], $0x4000  }
0xd6: {  	[sflag:s8] =	ssyncset.done $0x0  }
0xd7: {  	s10 =	rddreg [dreg:$0x7];
	[sflag:s8] =	ssyncadd.s32 $0xFFFFC000  }
0xd8: {  	[tilespmem:s2], [sflag:$0x3] =	stream.linear.gather [hbm4b:s10+s2], $0x1400, $0x38;
	[tilespmem:$0x1E400] =	vst v63  }
0xd9: {  	_ =	swait.ge [sflag:s17], $0x1400  }
0xda: {  	[sflag:s17] =	ssyncset.done $0x0  }
0xdb: {  	s11 =	rddreg [dreg:$0x8];
	[sflag:s17] =	ssyncadd.s32 $0xFFFFEC00  }
0xdc: {  	[tilespmem:s18], [sflag:$0x3] =	stream.linear.gather [hbm4b:s11+s2], $0x1400, $0x38;
	[tilespmem:$0x1E400] =	vst v63  }
0xdd: {  	_ =	swait.ge [sflag:s17], $0x1400  }
0xde: {  	[sflag:s17] =	ssyncset.done $0x0  }
0xdf: {  	[sflag:s17] =	ssyncadd.s32 $0xFFFFEC00  }
0xe0: {  	v3 =	vld [tilespmem:$0x0];
	_ =	sdelay $0x4  }
0xe1: {  	v4 =	vshll.u32 v3, $0x1  }
0xe2: {  	v3 =	vand.u32 $0x7, v3;
	v4 =	vand.u32 $0xFFFFFFF0, v4  }
0xe3: {  	v3 =	vor.u32 v3, v4  }
0xe4: {  	v4 =	vperm.xlane v3, v0;
	_ =	sdelay $0x1  }
0xe5: {  	v3 =	vperm.xlane v3, v2;
	v4 =	vadd.s32 v1, v4;
	_ =	sdelay $0x1  }
0xe6: {  	v3 =	vadd.s32 v1, v3;
	_ =	sdelay $0x2  }
0xe7: {  	[tilespmem:s19], [sflag:$0x1] =	stream.indirect_vreg.gather [hbm4b:s3+s2], $0x80, v4, vm0, $0xb8;
	[tilespmem:$0x1E400] =	vst v63  }
0xe8: {  	_ = 	snop  }
0xe9: {  	[tilespmem:s20], [sflag:$0x1] =	stream.indirect_vreg.gather [hbm4b:s3+s2], $0x80, v3, vm0, $0xb8;
	[tilespmem:$0x1E400] =	vst v63  }
0xea: {  	v3 =	vld [tilespmem:$0x10];
	_ =	sdelay $0x4  }
0xeb: {  	v57 =	vshll.u32 v3, $0x1  }
0xec: {  	v3 =	vand.u32 $0x7, v3;
	v4 =	vand.u32 $0xFFFFFFF0, v57  }
0xed: {  	v3 =	vor.u32 v3, v4  }
0xee: {  	v4 =	vperm.xlane v3, v0;
	_ =	sdelay $0x1  }
0xef: {  	v3 =	vperm.xlane v3, v2;
	v4 =	vadd.s32 v1, v4;
	_ =	sdelay $0x1  }
0xf0: {  	v3 =	vadd.s32 v1, v3;
	_ =	sdelay $0x2  }
0xf1: {  	[tilespmem:s21], [sflag:$0x1] =	stream.indirect_vreg.gather [hbm4b:s3+s2], $0x80, v4, vm0, $0xb8;
	[tilespmem:$0x1E400] =	vst v63  }
0xf2: {  	_ = 	snop  }
0xf3: {  	[tilespmem:s22], [sflag:$0x1] =	stream.indirect_vreg.gather [hbm4b:s3+s2], $0x80, v3, vm0, $0xb8;
	[tilespmem:$0x1E400] =	vst v63  }
0xf4: {  	v3 =	vld [tilespmem:$0x20];
	_ =	sdelay $0x4  }
0xf5: {  	v58 =	vshll.u32 v3, $0x1  }
0xf6: {  	v3 =	vand.u32 $0x7, v3;
	v4 =	vand.u32 $0xFFFFFFF0, v58  }
0xf7: {  	v3 =	vor.u32 v3, v4  }
0xf8: {  	v4 =	vperm.xlane v3, v0;
	_ =	sdelay $0x1  }
0xf9: {  	v3 =	vperm.xlane v3, v2;
	v4 =	vadd.s32 v1, v4;
	_ =	sdelay $0x1  }
0xfa: {  	v3 =	vadd.s32 v1, v3;
	_ =	sdelay $0x2  }
0xfb: {  	[tilespmem:s23], [sflag:$0x1] =	stream.indirect_vreg.gather [hbm4b:s3+s2], $0x80, v4, vm0, $0xb8;
	[tilespmem:$0x1E400] =	vst v63  }
0xfc: {  	_ = 	snop  }
0xfd: {  	[tilespmem:s24], [sflag:$0x1] =	stream.indirect_vreg.gather [hbm4b:s3+s2], $0x80, v3, vm0, $0xb8;
	[tilespmem:$0x1E400] =	vst v63  }
0xfe: {  	v3 =	vld [tilespmem:$0x30];
	_ =	sdelay $0x4  }
0xff: {  	v59 =	vshll.u32 v3, $0x1  }
0x100: {  	v3 =	vand.u32 $0x7, v3;
	v4 =	vand.u32 $0xFFFFFFF0, v59  }
0x101: {  	v3 =	vor.u32 v3, v4  }
0x102: {  	v4 =	vperm.xlane v3, v0;
	_ =	sdelay $0x1  }
0x103: {  	v3 =	vperm.xlane v3, v2;
	v4 =	vadd.s32 v1, v4;
	_ =	sdelay $0x1  }
0x104: {  	v3 =	vadd.s32 v1, v3;
	_ =	sdelay $0x2  }
0x105: {  	[tilespmem:s25], [sflag:$0x1] =	stream.indirect_vreg.gather [hbm4b:s3+s2], $0x80, v4, vm0, $0xb8;
	[tilespmem:$0x1E400] =	vst v63  }
0x106: {  	_ = 	snop  }
0x107: {  	[tilespmem:s26], [sflag:$0x1] =	stream.indirect_vreg.gather [hbm4b:s3+s2], $0x80, v3, vm0, $0xb8;
	[tilespmem:$0x1E400] =	vst v63  }
0x108: {  	v3 =	vld [tilespmem:$0x80];
	_ =	sdelay $0x4  }
0x109: {  	v60 =	vshll.u32 v3, $0x1  }
0x10a: {  	v3 =	vand.u32 $0x7, v3;
	v4 =	vand.u32 $0xFFFFFFF0, v60  }
0x10b: {  	v3 =	vor.u32 v3, v4  }
0x10c: {  	v4 =	vperm.xlane v3, v0;
	_ =	sdelay $0x1  }
0x10d: {  	v3 =	vperm.xlane v3, v2;
	v4 =	vadd.s32 v1, v4;
	_ =	sdelay $0x1  }
0x10e: {  	v3 =	vadd.s32 v1, v3;
	_ =	sdelay $0x2  }
0x10f: {  	[tilespmem:s28], [sflag:$0x2] =	stream.indirect_vreg.gather [hbm4b:s3+s2], $0x80, v4, vm0, $0xb8;
	[tilespmem:$0x1E400] =	vst v63  }
0x110: {  	_ = 	snop  }
0x111: {  	[tilespmem:s29], [sflag:$0x2] =	stream.indirect_vreg.gather [hbm4b:s3+s2], $0x80, v3, vm0, $0xb8;
	[tilespmem:$0x1E400] =	vst v63  }
0x112: {  	v3 =	vld [tilespmem:$0x90];
	_ =	sdelay $0x4  }
0x113: {  	v61 =	vshll.u32 v3, $0x1  }
0x114: {  	v3 =	vand.u32 $0x7, v3;
	v4 =	vand.u32 $0xFFFFFFF0, v61  }
0x115: {  	v3 =	vor.u32 v3, v4  }
0x116: {  	v4 =	vperm.xlane v3, v0;
	_ =	sdelay $0x1  }
0x117: {  	v3 =	vperm.xlane v3, v2;
	v4 =	vadd.s32 v1, v4;
	_ =	sdelay $0x1  }
0x118: {  	v3 =	vadd.s32 v1, v3;
	_ =	sdelay $0x2  }
0x119: {  	[tilespmem:s30], [sflag:$0x2] =	stream.indirect_vreg.gather [hbm4b:s3+s2], $0x80, v4, vm0, $0xb8;
	[tilespmem:$0x1E400] =	vst v63  }
0x11a: {  	_ = 	snop  }
0x11b: {  	[tilespmem:s31], [sflag:$0x2] =	stream.indirect_vreg.gather [hbm4b:s3+s2], $0x80, v3, vm0, $0xb8;
	[tilespmem:$0x1E400] =	vst v63  }
0x11c: {  	v3 =	vld [tilespmem:$0xA0];
	_ =	sdelay $0x4  }
0x11d: {  	v62 =	vshll.u32 v3, $0x1  }
0x11e: {  	v3 =	vand.u32 $0x7, v3;
	v4 =	vand.u32 $0xFFFFFFF0, v62  }
0x11f: {  	v3 =	vor.u32 v3, v4  }
0x120: {  	v4 =	vperm.xlane v3, v0;
	_ =	sdelay $0x1  }
0x121: {  	v3 =	vperm.xlane v3, v2;
	v4 =	vadd.s32 v1, v4;
	_ =	sdelay $0x1  }
0x122: {  	v3 =	vadd.s32 v1, v3;
	_ =	sdelay $0x2  }
0x123: {  	[tilespmem:s0], [sflag:$0x2] =	stream.indirect_vreg.gather [hbm4b:s3+s2], $0x80, v4, vm0, $0xb8;
	[tilespmem:$0x1E400] =	vst v63  }
0x124: {  	_ = 	snop  }
0x125: {  	[tilespmem:s1], [sflag:$0x2] =	stream.indirect_vreg.gather [hbm4b:s3+s2], $0x80, v3, vm0, $0xb8;
	[tilespmem:$0x1E400] =	vst v63  }
0x126: {  	v3 =	vld [tilespmem:$0xB0];
	_ =	sdelay $0x4  }
0x127: {  	v63 =	vshll.u32 v3, $0x1  }
0x128: {  	v3 =	vand.u32 $0x7, v3;
	v4 =	vand.u32 $0xFFFFFFF0, v63  }
0x129: {  	v3 =	vor.u32 v3, v4  }
0x12a: {  	v4 =	vperm.xlane v3, v0;
	_ =	sdelay $0x1  }
0x12b: {  	v3 =	vperm.xlane v3, v2;
	v4 =	vadd.s32 v1, v4;
	_ =	sdelay $0x1  }
0x12c: {  	v3 =	vadd.s32 v1, v3;
	_ =	sdelay $0x2  }
0x12d: {  	[tilespmem:s4], [sflag:$0x2] =	stream.indirect_vreg.gather [hbm4b:s3+s2], $0x80, v4, vm0, $0xb8;
	[tilespmem:$0x1E400] =	vst v63  }
0x12e: {  	_ = 	snop  }
0x12f: {  	[tilespmem:s6], [sflag:$0x2] =	stream.indirect_vreg.gather [hbm4b:s3+s2], $0x80, v3, vm0, $0xb8;
	[tilespmem:$0x1E400] =	vst v63  }
0x130: {  	_ =	swait.ge [sflag:s7], $0x4000  }
0x131: {  	[sflag:s7] =	ssyncset.done $0x0  }
0x132: {  	s10 =	simm.s32 $0x6C0;
	[sflag:s7] =	ssyncadd.s32 $0xFFFFC000  }
.LBB2_4:
0x133: {  	s11 =	sshra.s32 s10, $0x2  }
0x134: {  	v3 =	vld [tilespmem:s11+$0xFFFFFF50];
	_ =	sdelay $0x4  }
0x135: {  	v4 =	vshll.u32 v3, $0x1  }
0x136: {  	v3 =	vand.u32 $0x7, v3;
	v4 =	vand.u32 $0xFFFFFFF0, v4  }
0x137: {  	v3 =	vor.u32 v3, v4  }
0x138: {  	v4 =	vperm.xlane v3, v0;
	_ =	sdelay $0x1  }
0x139: {  	v3 =	vperm.xlane v3, v2;
	v4 =	vadd.s32 v1, v4;
	_ =	sdelay $0x1  }
0x13a: {  	v3 =	vadd.s32 v1, v3;
	_ =	sdelay $0x2  }
0x13b: {  	[tilespmem:s19], [sflag:$0x1] =	stream.indirect_vreg.gather [hbm4b:s3+s2], $0x80, v4, vm0, $0xb8;
	[tilespmem:$0x1E400] =	vst v63  }
0x13c: {  	_ = 	snop  }
0x13d: {  	[tilespmem:s20], [sflag:$0x1] =	stream.indirect_vreg.gather [hbm4b:s3+s2], $0x80, v3, vm0, $0xb8;
	[tilespmem:$0x1E400] =	vst v63  }
0x13e: {  	v3 =	vld [tilespmem:s11+$0xFFFFFF60];
	_ =	sdelay $0x4  }
0x13f: {  	v57 =	vshll.u32 v3, $0x1  }
0x140: {  	v3 =	vand.u32 $0x7, v3;
	v4 =	vand.u32 $0xFFFFFFF0, v57  }
0x141: {  	v3 =	vor.u32 v3, v4  }
0x142: {  	v4 =	vperm.xlane v3, v0;
	_ =	sdelay $0x1  }
0x143: {  	v3 =	vperm.xlane v3, v2;
	v4 =	vadd.s32 v1, v4;
	_ =	sdelay $0x1  }
0x144: {  	v3 =	vadd.s32 v1, v3;
	_ =	sdelay $0x2  }
0x145: {  	[tilespmem:s21], [sflag:$0x1] =	stream.indirect_vreg.gather [hbm4b:s3+s2], $0x80, v4, vm0, $0xb8;
	[tilespmem:$0x1E400] =	vst v63  }
0x146: {  	_ = 	snop  }
0x147: {  	[tilespmem:s22], [sflag:$0x1] =	stream.indirect_vreg.gather [hbm4b:s3+s2], $0x80, v3, vm0, $0xb8;
	[tilespmem:$0x1E400] =	vst v63  }
0x148: {  	v3 =	vld [tilespmem:s11+$0xFFFFFF70];
	_ =	sdelay $0x4  }
0x149: {  	v58 =	vshll.u32 v3, $0x1  }
0x14a: {  	v3 =	vand.u32 $0x7, v3;
	v4 =	vand.u32 $0xFFFFFFF0, v58  }
0x14b: {  	v3 =	vor.u32 v3, v4  }
0x14c: {  	v4 =	vperm.xlane v3, v0;
	_ =	sdelay $0x1  }
0x14d: {  	v3 =	vperm.xlane v3, v2;
	v4 =	vadd.s32 v1, v4;
	_ =	sdelay $0x1  }
0x14e: {  	v3 =	vadd.s32 v1, v3;
	_ =	sdelay $0x2  }
0x14f: {  	[tilespmem:s23], [sflag:$0x1] =	stream.indirect_vreg.gather [hbm4b:s3+s2], $0x80, v4, vm0, $0xb8;
	[tilespmem:$0x1E400] =	vst v63  }
0x150: {  	_ = 	snop  }
0x151: {  	[tilespmem:s24], [sflag:$0x1] =	stream.indirect_vreg.gather [hbm4b:s3+s2], $0x80, v3, vm0, $0xb8;
	[tilespmem:$0x1E400] =	vst v63  }
0x152: {  	v3 =	vld [tilespmem:s11+$0xFFFFFF80];
	_ =	sdelay $0x4  }
0x153: {  	v59 =	vshll.u32 v3, $0x1  }
0x154: {  	v3 =	vand.u32 $0x7, v3;
	v4 =	vand.u32 $0xFFFFFFF0, v59  }
0x155: {  	v3 =	vor.u32 v3, v4  }
0x156: {  	v4 =	vperm.xlane v3, v0;
	_ =	sdelay $0x1  }
0x157: {  	v3 =	vperm.xlane v3, v2;
	v4 =	vadd.s32 v1, v4;
	_ =	sdelay $0x1  }
0x158: {  	v3 =	vadd.s32 v1, v3;
	_ =	sdelay $0x2  }
0x159: {  	[tilespmem:s25], [sflag:$0x1] =	stream.indirect_vreg.gather [hbm4b:s3+s2], $0x80, v4, vm0, $0xb8;
	[tilespmem:$0x1E400] =	vst v63  }
0x15a: {  	_ = 	snop  }
0x15b: {  	[tilespmem:s26], [sflag:$0x1] =	stream.indirect_vreg.gather [hbm4b:s3+s2], $0x80, v3, vm0, $0xb8;
	[tilespmem:$0x1E400] =	vst v63  }
0x15c: {  	_ =	swait.ge [sflag:s8], $0x4000  }
0x15d: {  	[sflag:s8] =	ssyncset.done $0x0  }
0x15e: {  	[sflag:s8] =	ssyncadd.s32 $0xFFFFC000  }
0x15f: {  	v3 =	vld [tilespmem:s11+$0xFFFFFFD0];
	_ =	sdelay $0x4  }
0x160: {  	v60 =	vshll.u32 v3, $0x1  }
0x161: {  	v3 =	vand.u32 $0x7, v3;
	v4 =	vand.u32 $0xFFFFFFF0, v60  }
0x162: {  	v3 =	vor.u32 v3, v4  }
0x163: {  	v4 =	vperm.xlane v3, v0;
	_ =	sdelay $0x1  }
0x164: {  	v3 =	vperm.xlane v3, v2;
	v4 =	vadd.s32 v1, v4;
	_ =	sdelay $0x1  }
0x165: {  	v3 =	vadd.s32 v1, v3;
	_ =	sdelay $0x2  }
0x166: {  	[tilespmem:s28], [sflag:$0x2] =	stream.indirect_vreg.gather [hbm4b:s3+s2], $0x80, v4, vm0, $0xb8;
	[tilespmem:$0x1E400] =	vst v63  }
0x167: {  	_ = 	snop  }
0x168: {  	[tilespmem:s29], [sflag:$0x2] =	stream.indirect_vreg.gather [hbm4b:s3+s2], $0x80, v3, vm0, $0xb8;
	[tilespmem:$0x1E400] =	vst v63  }
0x169: {  	v3 =	vld [tilespmem:s11+$0xFFFFFFE0];
	_ =	sdelay $0x4  }
0x16a: {  	v61 =	vshll.u32 v3, $0x1  }
0x16b: {  	v3 =	vand.u32 $0x7, v3;
	v4 =	vand.u32 $0xFFFFFFF0, v61  }
0x16c: {  	v3 =	vor.u32 v3, v4  }
0x16d: {  	v4 =	vperm.xlane v3, v0;
	_ =	sdelay $0x1  }
0x16e: {  	v3 =	vperm.xlane v3, v2;
	v4 =	vadd.s32 v1, v4;
	_ =	sdelay $0x1  }
0x16f: {  	v3 =	vadd.s32 v1, v3;
	_ =	sdelay $0x2  }
0x170: {  	[tilespmem:s30], [sflag:$0x2] =	stream.indirect_vreg.gather [hbm4b:s3+s2], $0x80, v4, vm0, $0xb8;
	[tilespmem:$0x1E400] =	vst v63  }
0x171: {  	_ = 	snop  }
0x172: {  	[tilespmem:s31], [sflag:$0x2] =	stream.indirect_vreg.gather [hbm4b:s3+s2], $0x80, v3, vm0, $0xb8;
	[tilespmem:$0x1E400] =	vst v63  }
0x173: {  	v3 =	vld [tilespmem:s11+$0xFFFFFFF0];
	_ =	sdelay $0x4  }
0x174: {  	v62 =	vshll.u32 v3, $0x1  }
0x175: {  	v3 =	vand.u32 $0x7, v3;
	v4 =	vand.u32 $0xFFFFFFF0, v62  }
0x176: {  	v3 =	vor.u32 v3, v4  }
0x177: {  	v4 =	vperm.xlane v3, v0;
	_ =	sdelay $0x1  }
0x178: {  	v3 =	vperm.xlane v3, v2;
	v4 =	vadd.s32 v1, v4;
	_ =	sdelay $0x1  }
0x179: {  	v3 =	vadd.s32 v1, v3;
	_ =	sdelay $0x2  }
0x17a: {  	[tilespmem:s0], [sflag:$0x2] =	stream.indirect_vreg.gather [hbm4b:s3+s2], $0x80, v4, vm0, $0xb8;
	[tilespmem:$0x1E400] =	vst v63  }
0x17b: {  	_ = 	snop  }
0x17c: {  	[tilespmem:s1], [sflag:$0x2] =	stream.indirect_vreg.gather [hbm4b:s3+s2], $0x80, v3, vm0, $0xb8;
	[tilespmem:$0x1E400] =	vst v63  }
0x17d: {  	v3 =	vld [tilespmem:s11+$0x0];
	_ =	sdelay $0x4  }
0x17e: {  	v63 =	vshll.u32 v3, $0x1  }
0x17f: {  	v3 =	vand.u32 $0x7, v3;
	v4 =	vand.u32 $0xFFFFFFF0, v63  }
0x180: {  	v3 =	vor.u32 v3, v4  }
0x181: {  	v4 =	vperm.xlane v3, v0;
	_ =	sdelay $0x1  }
0x182: {  	v3 =	vperm.xlane v3, v2;
	v4 =	vadd.s32 v1, v4;
	_ =	sdelay $0x1  }
0x183: {  	v3 =	vadd.s32 v1, v3;
	_ =	sdelay $0x1  }
0x184: {  	p0 =	sne.s32 s10, $0x4EC0  }
0x185: {  	[tilespmem:s4], [sflag:$0x2] =	stream.indirect_vreg.gather [hbm4b:s3+s2], $0x80, v4, vm0, $0xb8;
	[tilespmem:$0x1E400] =	vst v63  }
.Ltmp1:
0x186: {  	_ = 	snop;
	(pc) =	sbr.rel @p0 .LBB2_4-.Ltmp1, $4  }
0x187: {  	[tilespmem:s6], [sflag:$0x2] =	stream.indirect_vreg.gather [hbm4b:s3+s2], $0x80, v3, vm0, $0xb8;
	[tilespmem:$0x1E400] =	vst v63  }
0x188: {  	_ =	swait.ge [sflag:s7], $0x4000  }
0x189: {  	[sflag:s7] =	ssyncset.done $0x0  }
0x18a: {  	s10 =	sadd.s32 $0x400, s10;
	[sflag:s7] =	ssyncadd.s32 $0xFFFFC000  }
0x18b: {  	_ =	swait.ge [sflag:s8], $0x4000  }
0x18c: {  	[sflag:s8] =	ssyncset.done $0x0  }
0x18d: {  	s10 =	rddreg [dreg:$0x9];
	[sflag:s8] =	ssyncadd.s32 $0xFFFFC000  }
0x18e: {  	[tilespmem:s2], [sflag:$0x3] =	stream.linear.gather [hbm4b:s10+s2], $0x1400, $0x38;
	[tilespmem:$0x1E400] =	vst v63  }
0x18f: {  	_ =	swait.ge [sflag:s17], $0x1400  }
0x190: {  	[sflag:s17] =	ssyncset.done $0x0  }
0x191: {  	s11 =	rddreg [dreg:$0xa];
	[sflag:s17] =	ssyncadd.s32 $0xFFFFEC00  }
0x192: {  	[tilespmem:s18], [sflag:$0x3] =	stream.linear.gather [hbm4b:s11+s2], $0x1400, $0x38;
	[tilespmem:$0x1E400] =	vst v63  }
0x193: {  	_ =	swait.ge [sflag:s17], $0x1400  }
0x194: {  	[sflag:s17] =	ssyncset.done $0x0  }
0x195: {  	[sflag:s17] =	ssyncadd.s32 $0xFFFFEC00  }
0x196: {  	v3 =	vld [tilespmem:$0x0];
	_ =	sdelay $0x4  }
0x197: {  	v4 =	vshll.u32 v3, $0x1  }
0x198: {  	v3 =	vand.u32 $0x7, v3;
	v4 =	vand.u32 $0xFFFFFFF0, v4  }
0x199: {  	v3 =	vor.u32 v3, v4  }
0x19a: {  	v4 =	vperm.xlane v3, v0;
	_ =	sdelay $0x1  }
0x19b: {  	v3 =	vperm.xlane v3, v2;
	v4 =	vadd.s32 v1, v4;
	_ =	sdelay $0x1  }
0x19c: {  	v3 =	vadd.s32 v1, v3;
	_ =	sdelay $0x2  }
0x19d: {  	[tilespmem:s19], [sflag:$0x1] =	stream.indirect_vreg.gather [hbm4b:s3+s2], $0x80, v4, vm0, $0xb8;
	[tilespmem:$0x1E400] =	vst v63  }
0x19e: {  	_ = 	snop  }
0x19f: {  	[tilespmem:s20], [sflag:$0x1] =	stream.indirect_vreg.gather [hbm4b:s3+s2], $0x80, v3, vm0, $0xb8;
	[tilespmem:$0x1E400] =	vst v63  }
0x1a0: {  	v3 =	vld [tilespmem:$0x10];
	_ =	sdelay $0x4  }
0x1a1: {  	v57 =	vshll.u32 v3, $0x1  }
0x1a2: {  	v3 =	vand.u32 $0x7, v3;
	v4 =	vand.u32 $0xFFFFFFF0, v57  }
0x1a3: {  	v3 =	vor.u32 v3, v4  }
0x1a4: {  	v4 =	vperm.xlane v3, v0;
	_ =	sdelay $0x1  }
0x1a5: {  	v3 =	vperm.xlane v3, v2;
	v4 =	vadd.s32 v1, v4;
	_ =	sdelay $0x1  }
0x1a6: {  	v3 =	vadd.s32 v1, v3;
	_ =	sdelay $0x2  }
0x1a7: {  	[tilespmem:s21], [sflag:$0x1] =	stream.indirect_vreg.gather [hbm4b:s3+s2], $0x80, v4, vm0, $0xb8;
	[tilespmem:$0x1E400] =	vst v63  }
0x1a8: {  	_ = 	snop  }
0x1a9: {  	[tilespmem:s22], [sflag:$0x1] =	stream.indirect_vreg.gather [hbm4b:s3+s2], $0x80, v3, vm0, $0xb8;
	[tilespmem:$0x1E400] =	vst v63  }
0x1aa: {  	v3 =	vld [tilespmem:$0x20];
	_ =	sdelay $0x4  }
0x1ab: {  	v58 =	vshll.u32 v3, $0x1  }
0x1ac: {  	v3 =	vand.u32 $0x7, v3;
	v4 =	vand.u32 $0xFFFFFFF0, v58  }
0x1ad: {  	v3 =	vor.u32 v3, v4  }
0x1ae: {  	v4 =	vperm.xlane v3, v0;
	_ =	sdelay $0x1  }
0x1af: {  	v3 =	vperm.xlane v3, v2;
	v4 =	vadd.s32 v1, v4;
	_ =	sdelay $0x1  }
0x1b0: {  	v3 =	vadd.s32 v1, v3;
	_ =	sdelay $0x2  }
0x1b1: {  	[tilespmem:s23], [sflag:$0x1] =	stream.indirect_vreg.gather [hbm4b:s3+s2], $0x80, v4, vm0, $0xb8;
	[tilespmem:$0x1E400] =	vst v63  }
0x1b2: {  	_ = 	snop  }
0x1b3: {  	[tilespmem:s24], [sflag:$0x1] =	stream.indirect_vreg.gather [hbm4b:s3+s2], $0x80, v3, vm0, $0xb8;
	[tilespmem:$0x1E400] =	vst v63  }
0x1b4: {  	v3 =	vld [tilespmem:$0x30];
	_ =	sdelay $0x4  }
0x1b5: {  	v59 =	vshll.u32 v3, $0x1  }
0x1b6: {  	v3 =	vand.u32 $0x7, v3;
	v4 =	vand.u32 $0xFFFFFFF0, v59  }
0x1b7: {  	v3 =	vor.u32 v3, v4  }
0x1b8: {  	v4 =	vperm.xlane v3, v0;
	_ =	sdelay $0x1  }
0x1b9: {  	v3 =	vperm.xlane v3, v2;
	v4 =	vadd.s32 v1, v4;
	_ =	sdelay $0x1  }
0x1ba: {  	v3 =	vadd.s32 v1, v3;
	_ =	sdelay $0x2  }
0x1bb: {  	[tilespmem:s25], [sflag:$0x1] =	stream.indirect_vreg.gather [hbm4b:s3+s2], $0x80, v4, vm0, $0xb8;
	[tilespmem:$0x1E400] =	vst v63  }
0x1bc: {  	_ = 	snop  }
0x1bd: {  	[tilespmem:s26], [sflag:$0x1] =	stream.indirect_vreg.gather [hbm4b:s3+s2], $0x80, v3, vm0, $0xb8;
	[tilespmem:$0x1E400] =	vst v63  }
0x1be: {  	v3 =	vld [tilespmem:$0x80];
	_ =	sdelay $0x4  }
0x1bf: {  	v60 =	vshll.u32 v3, $0x1  }
0x1c0: {  	v3 =	vand.u32 $0x7, v3;
	v4 =	vand.u32 $0xFFFFFFF0, v60  }
0x1c1: {  	v3 =	vor.u32 v3, v4  }
0x1c2: {  	v4 =	vperm.xlane v3, v0;
	_ =	sdelay $0x1  }
0x1c3: {  	v3 =	vperm.xlane v3, v2;
	v4 =	vadd.s32 v1, v4;
	_ =	sdelay $0x1  }
0x1c4: {  	v3 =	vadd.s32 v1, v3;
	_ =	sdelay $0x2  }
0x1c5: {  	[tilespmem:s28], [sflag:$0x2] =	stream.indirect_vreg.gather [hbm4b:s3+s2], $0x80, v4, vm0, $0xb8;
	[tilespmem:$0x1E400] =	vst v63  }
0x1c6: {  	_ = 	snop  }
0x1c7: {  	[tilespmem:s29], [sflag:$0x2] =	stream.indirect_vreg.gather [hbm4b:s3+s2], $0x80, v3, vm0, $0xb8;
	[tilespmem:$0x1E400] =	vst v63  }
0x1c8: {  	v3 =	vld [tilespmem:$0x90];
	_ =	sdelay $0x4  }
0x1c9: {  	v61 =	vshll.u32 v3, $0x1  }
0x1ca: {  	v3 =	vand.u32 $0x7, v3;
	v4 =	vand.u32 $0xFFFFFFF0, v61  }
0x1cb: {  	v3 =	vor.u32 v3, v4  }
0x1cc: {  	v4 =	vperm.xlane v3, v0;
	_ =	sdelay $0x1  }
0x1cd: {  	v3 =	vperm.xlane v3, v2;
	v4 =	vadd.s32 v1, v4;
	_ =	sdelay $0x1  }
0x1ce: {  	v3 =	vadd.s32 v1, v3;
	_ =	sdelay $0x2  }
0x1cf: {  	[tilespmem:s30], [sflag:$0x2] =	stream.indirect_vreg.gather [hbm4b:s3+s2], $0x80, v4, vm0, $0xb8;
	[tilespmem:$0x1E400] =	vst v63  }
0x1d0: {  	_ = 	snop  }
0x1d1: {  	[tilespmem:s31], [sflag:$0x2] =	stream.indirect_vreg.gather [hbm4b:s3+s2], $0x80, v3, vm0, $0xb8;
	[tilespmem:$0x1E400] =	vst v63  }
0x1d2: {  	v3 =	vld [tilespmem:$0xA0];
	_ =	sdelay $0x4  }
0x1d3: {  	v62 =	vshll.u32 v3, $0x1  }
0x1d4: {  	v3 =	vand.u32 $0x7, v3;
	v4 =	vand.u32 $0xFFFFFFF0, v62  }
0x1d5: {  	v3 =	vor.u32 v3, v4  }
0x1d6: {  	v4 =	vperm.xlane v3, v0;
	_ =	sdelay $0x1  }
0x1d7: {  	v3 =	vperm.xlane v3, v2;
	v4 =	vadd.s32 v1, v4;
	_ =	sdelay $0x1  }
0x1d8: {  	v3 =	vadd.s32 v1, v3;
	_ =	sdelay $0x2  }
0x1d9: {  	[tilespmem:s0], [sflag:$0x2] =	stream.indirect_vreg.gather [hbm4b:s3+s2], $0x80, v4, vm0, $0xb8;
	[tilespmem:$0x1E400] =	vst v63  }
0x1da: {  	_ = 	snop  }
0x1db: {  	[tilespmem:s1], [sflag:$0x2] =	stream.indirect_vreg.gather [hbm4b:s3+s2], $0x80, v3, vm0, $0xb8;
	[tilespmem:$0x1E400] =	vst v63  }
0x1dc: {  	v3 =	vld [tilespmem:$0xB0];
	_ =	sdelay $0x4  }
0x1dd: {  	v63 =	vshll.u32 v3, $0x1  }
0x1de: {  	v3 =	vand.u32 $0x7, v3;
	v4 =	vand.u32 $0xFFFFFFF0, v63  }
0x1df: {  	v3 =	vor.u32 v3, v4  }
0x1e0: {  	v4 =	vperm.xlane v3, v0;
	_ =	sdelay $0x1  }
0x1e1: {  	v3 =	vperm.xlane v3, v2;
	v4 =	vadd.s32 v1, v4;
	_ =	sdelay $0x1  }
0x1e2: {  	v3 =	vadd.s32 v1, v3;
	_ =	sdelay $0x2  }
0x1e3: {  	[tilespmem:s4], [sflag:$0x2] =	stream.indirect_vreg.gather [hbm4b:s3+s2], $0x80, v4, vm0, $0xb8;
	[tilespmem:$0x1E400] =	vst v63  }
0x1e4: {  	_ = 	snop  }
0x1e5: {  	[tilespmem:s6], [sflag:$0x2] =	stream.indirect_vreg.gather [hbm4b:s3+s2], $0x80, v3, vm0, $0xb8;
	[tilespmem:$0x1E400] =	vst v63  }
0x1e6: {  	_ =	swait.ge [sflag:s7], $0x4000  }
0x1e7: {  	[sflag:s7] =	ssyncset.done $0x0  }
0x1e8: {  	s10 =	simm.s32 $0x6C0;
	[sflag:s7] =	ssyncadd.s32 $0xFFFFC000  }
.LBB2_6:
0x1e9: {  	s11 =	sshra.s32 s10, $0x2  }
0x1ea: {  	v3 =	vld [tilespmem:s11+$0xFFFFFF50];
	_ =	sdelay $0x4  }
0x1eb: {  	v4 =	vshll.u32 v3, $0x1  }
0x1ec: {  	v3 =	vand.u32 $0x7, v3;
	v4 =	vand.u32 $0xFFFFFFF0, v4  }
0x1ed: {  	v3 =	vor.u32 v3, v4  }
0x1ee: {  	v4 =	vperm.xlane v3, v0;
	_ =	sdelay $0x1  }
0x1ef: {  	v3 =	vperm.xlane v3, v2;
	v4 =	vadd.s32 v1, v4;
	_ =	sdelay $0x1  }
0x1f0: {  	v3 =	vadd.s32 v1, v3;
	_ =	sdelay $0x2  }
0x1f1: {  	[tilespmem:s19], [sflag:$0x1] =	stream.indirect_vreg.gather [hbm4b:s3+s2], $0x80, v4, vm0, $0xb8;
	[tilespmem:$0x1E400] =	vst v63  }
0x1f2: {  	_ = 	snop  }
0x1f3: {  	[tilespmem:s20], [sflag:$0x1] =	stream.indirect_vreg.gather [hbm4b:s3+s2], $0x80, v3, vm0, $0xb8;
	[tilespmem:$0x1E400] =	vst v63  }
0x1f4: {  	v3 =	vld [tilespmem:s11+$0xFFFFFF60];
	_ =	sdelay $0x4  }
0x1f5: {  	v57 =	vshll.u32 v3, $0x1  }
0x1f6: {  	v3 =	vand.u32 $0x7, v3;
	v4 =	vand.u32 $0xFFFFFFF0, v57  }
0x1f7: {  	v3 =	vor.u32 v3, v4  }
0x1f8: {  	v4 =	vperm.xlane v3, v0;
	_ =	sdelay $0x1  }
0x1f9: {  	v3 =	vperm.xlane v3, v2;
	v4 =	vadd.s32 v1, v4;
	_ =	sdelay $0x1  }
0x1fa: {  	v3 =	vadd.s32 v1, v3;
	_ =	sdelay $0x2  }
0x1fb: {  	[tilespmem:s21], [sflag:$0x1] =	stream.indirect_vreg.gather [hbm4b:s3+s2], $0x80, v4, vm0, $0xb8;
	[tilespmem:$0x1E400] =	vst v63  }
0x1fc: {  	_ = 	snop  }
0x1fd: {  	[tilespmem:s22], [sflag:$0x1] =	stream.indirect_vreg.gather [hbm4b:s3+s2], $0x80, v3, vm0, $0xb8;
	[tilespmem:$0x1E400] =	vst v63  }
0x1fe: {  	v3 =	vld [tilespmem:s11+$0xFFFFFF70];
	_ =	sdelay $0x4  }
0x1ff: {  	v58 =	vshll.u32 v3, $0x1  }
0x200: {  	v3 =	vand.u32 $0x7, v3;
	v4 =	vand.u32 $0xFFFFFFF0, v58  }
0x201: {  	v3 =	vor.u32 v3, v4  }
0x202: {  	v4 =	vperm.xlane v3, v0;
	_ =	sdelay $0x1  }
0x203: {  	v3 =	vperm.xlane v3, v2;
	v4 =	vadd.s32 v1, v4;
	_ =	sdelay $0x1  }
0x204: {  	v3 =	vadd.s32 v1, v3;
	_ =	sdelay $0x2  }
0x205: {  	[tilespmem:s23], [sflag:$0x1] =	stream.indirect_vreg.gather [hbm4b:s3+s2], $0x80, v4, vm0, $0xb8;
	[tilespmem:$0x1E400] =	vst v63  }
0x206: {  	_ = 	snop  }
0x207: {  	[tilespmem:s24], [sflag:$0x1] =	stream.indirect_vreg.gather [hbm4b:s3+s2], $0x80, v3, vm0, $0xb8;
	[tilespmem:$0x1E400] =	vst v63  }
0x208: {  	v3 =	vld [tilespmem:s11+$0xFFFFFF80];
	_ =	sdelay $0x4  }
0x209: {  	v59 =	vshll.u32 v3, $0x1  }
0x20a: {  	v3 =	vand.u32 $0x7, v3;
	v4 =	vand.u32 $0xFFFFFFF0, v59  }
0x20b: {  	v3 =	vor.u32 v3, v4  }
0x20c: {  	v4 =	vperm.xlane v3, v0;
	_ =	sdelay $0x1  }
0x20d: {  	v3 =	vperm.xlane v3, v2;
	v4 =	vadd.s32 v1, v4;
	_ =	sdelay $0x1  }
0x20e: {  	v3 =	vadd.s32 v1, v3;
	_ =	sdelay $0x2  }
0x20f: {  	[tilespmem:s25], [sflag:$0x1] =	stream.indirect_vreg.gather [hbm4b:s3+s2], $0x80, v4, vm0, $0xb8;
	[tilespmem:$0x1E400] =	vst v63  }
0x210: {  	_ = 	snop  }
0x211: {  	[tilespmem:s26], [sflag:$0x1] =	stream.indirect_vreg.gather [hbm4b:s3+s2], $0x80, v3, vm0, $0xb8;
	[tilespmem:$0x1E400] =	vst v63  }
0x212: {  	_ =	swait.ge [sflag:s8], $0x4000  }
0x213: {  	[sflag:s8] =	ssyncset.done $0x0  }
0x214: {  	[sflag:s8] =	ssyncadd.s32 $0xFFFFC000  }
0x215: {  	v3 =	vld [tilespmem:s11+$0xFFFFFFD0];
	_ =	sdelay $0x4  }
0x216: {  	v60 =	vshll.u32 v3, $0x1  }
0x217: {  	v3 =	vand.u32 $0x7, v3;
	v4 =	vand.u32 $0xFFFFFFF0, v60  }
0x218: {  	v3 =	vor.u32 v3, v4  }
0x219: {  	v4 =	vperm.xlane v3, v0;
	_ =	sdelay $0x1  }
0x21a: {  	v3 =	vperm.xlane v3, v2;
	v4 =	vadd.s32 v1, v4;
	_ =	sdelay $0x1  }
0x21b: {  	v3 =	vadd.s32 v1, v3;
	_ =	sdelay $0x2  }
0x21c: {  	[tilespmem:s28], [sflag:$0x2] =	stream.indirect_vreg.gather [hbm4b:s3+s2], $0x80, v4, vm0, $0xb8;
	[tilespmem:$0x1E400] =	vst v63  }
0x21d: {  	_ = 	snop  }
0x21e: {  	[tilespmem:s29], [sflag:$0x2] =	stream.indirect_vreg.gather [hbm4b:s3+s2], $0x80, v3, vm0, $0xb8;
	[tilespmem:$0x1E400] =	vst v63  }
0x21f: {  	v3 =	vld [tilespmem:s11+$0xFFFFFFE0];
	_ =	sdelay $0x4  }
0x220: {  	v61 =	vshll.u32 v3, $0x1  }
0x221: {  	v3 =	vand.u32 $0x7, v3;
	v4 =	vand.u32 $0xFFFFFFF0, v61  }
0x222: {  	v3 =	vor.u32 v3, v4  }
0x223: {  	v4 =	vperm.xlane v3, v0;
	_ =	sdelay $0x1  }
0x224: {  	v3 =	vperm.xlane v3, v2;
	v4 =	vadd.s32 v1, v4;
	_ =	sdelay $0x1  }
0x225: {  	v3 =	vadd.s32 v1, v3;
	_ =	sdelay $0x2  }
0x226: {  	[tilespmem:s30], [sflag:$0x2] =	stream.indirect_vreg.gather [hbm4b:s3+s2], $0x80, v4, vm0, $0xb8;
	[tilespmem:$0x1E400] =	vst v63  }
0x227: {  	_ = 	snop  }
0x228: {  	[tilespmem:s31], [sflag:$0x2] =	stream.indirect_vreg.gather [hbm4b:s3+s2], $0x80, v3, vm0, $0xb8;
	[tilespmem:$0x1E400] =	vst v63  }
0x229: {  	v3 =	vld [tilespmem:s11+$0xFFFFFFF0];
	_ =	sdelay $0x4  }
0x22a: {  	v62 =	vshll.u32 v3, $0x1  }
0x22b: {  	v3 =	vand.u32 $0x7, v3;
	v4 =	vand.u32 $0xFFFFFFF0, v62  }
0x22c: {  	v3 =	vor.u32 v3, v4  }
0x22d: {  	v4 =	vperm.xlane v3, v0;
	_ =	sdelay $0x1  }
0x22e: {  	v3 =	vperm.xlane v3, v2;
	v4 =	vadd.s32 v1, v4;
	_ =	sdelay $0x1  }
0x22f: {  	v3 =	vadd.s32 v1, v3;
	_ =	sdelay $0x2  }
0x230: {  	[tilespmem:s0], [sflag:$0x2] =	stream.indirect_vreg.gather [hbm4b:s3+s2], $0x80, v4, vm0, $0xb8;
	[tilespmem:$0x1E400] =	vst v63  }
0x231: {  	_ = 	snop  }
0x232: {  	[tilespmem:s1], [sflag:$0x2] =	stream.indirect_vreg.gather [hbm4b:s3+s2], $0x80, v3, vm0, $0xb8;
	[tilespmem:$0x1E400] =	vst v63  }
0x233: {  	v3 =	vld [tilespmem:s11+$0x0];
	_ =	sdelay $0x4  }
0x234: {  	v63 =	vshll.u32 v3, $0x1  }
0x235: {  	v3 =	vand.u32 $0x7, v3;
	v4 =	vand.u32 $0xFFFFFFF0, v63  }
0x236: {  	v3 =	vor.u32 v3, v4  }
0x237: {  	v4 =	vperm.xlane v3, v0;
	_ =	sdelay $0x1  }
0x238: {  	v3 =	vperm.xlane v3, v2;
	v4 =	vadd.s32 v1, v4;
	_ =	sdelay $0x1  }
0x239: {  	v3 =	vadd.s32 v1, v3;
	_ =	sdelay $0x1  }
0x23a: {  	p0 =	sne.s32 s10, $0x4EC0  }
0x23b: {  	[tilespmem:s4], [sflag:$0x2] =	stream.indirect_vreg.gather [hbm4b:s3+s2], $0x80, v4, vm0, $0xb8;
	[tilespmem:$0x1E400] =	vst v63  }
.Ltmp2:
0x23c: {  	_ = 	snop;
	(pc) =	sbr.rel @p0 .LBB2_6-.Ltmp2, $4  }
0x23d: {  	[tilespmem:s6], [sflag:$0x2] =	stream.indirect_vreg.gather [hbm4b:s3+s2], $0x80, v3, vm0, $0xb8;
	[tilespmem:$0x1E400] =	vst v63  }
0x23e: {  	_ =	swait.ge [sflag:s7], $0x4000  }
0x23f: {  	[sflag:s7] =	ssyncset.done $0x0  }
0x240: {  	s10 =	sadd.s32 $0x400, s10;
	[sflag:s7] =	ssyncadd.s32 $0xFFFFC000  }
0x241: {  	_ =	swait.ge [sflag:s8], $0x4000  }
0x242: {  	[sflag:s8] =	ssyncset.done $0x0  }
0x243: {  	[sflag:s8] =	ssyncadd.s32 $0xFFFFC000  }
0x244: {  	[tilespmem:s2], [sflag:$0x3] =	stream.linear.gather [hbm4b:s12+s2], $0x1400, $0x38;
	[tilespmem:$0x1E400] =	vst v63  }
0x245: {  	_ =	swait.ge [sflag:s17], $0x1400  }
0x246: {  	[sflag:s17] =	ssyncset.done $0x0  }
0x247: {  	[sflag:s17] =	ssyncadd.s32 $0xFFFFEC00  }
0x248: {  	[tilespmem:s18], [sflag:$0x3] =	stream.linear.gather [hbm4b:s13+s2], $0x1400, $0x38;
	[tilespmem:$0x1E400] =	vst v63  }
0x249: {  	_ =	swait.ge [sflag:s17], $0x1400  }
0x24a: {  	[sflag:s17] =	ssyncset.done $0x0  }
0x24b: {  	[sflag:s17] =	ssyncadd.s32 $0xFFFFEC00  }
0x24c: {  	v3 =	vld [tilespmem:$0x0];
	_ =	sdelay $0x4  }
0x24d: {  	v4 =	vshll.u32 v3, $0x1  }
0x24e: {  	v3 =	vand.u32 $0x7, v3;
	v4 =	vand.u32 $0xFFFFFFF0, v4  }
0x24f: {  	v3 =	vor.u32 v3, v4  }
0x250: {  	v4 =	vperm.xlane v3, v0;
	_ =	sdelay $0x1  }
0x251: {  	v3 =	vperm.xlane v3, v2;
	v4 =	vadd.s32 v1, v4;
	_ =	sdelay $0x1  }
0x252: {  	v3 =	vadd.s32 v1, v3;
	_ =	sdelay $0x2  }
0x253: {  	[tilespmem:s19], [sflag:$0x1] =	stream.indirect_vreg.gather [hbm4b:s3+s2], $0x80, v4, vm0, $0xb8;
	[tilespmem:$0x1E400] =	vst v63  }
0x254: {  	_ = 	snop  }
0x255: {  	[tilespmem:s20], [sflag:$0x1] =	stream.indirect_vreg.gather [hbm4b:s3+s2], $0x80, v3, vm0, $0xb8;
	[tilespmem:$0x1E400] =	vst v63  }
0x256: {  	v3 =	vld [tilespmem:$0x10];
	_ =	sdelay $0x4  }
0x257: {  	v57 =	vshll.u32 v3, $0x1  }
0x258: {  	v3 =	vand.u32 $0x7, v3;
	v4 =	vand.u32 $0xFFFFFFF0, v57  }
0x259: {  	v3 =	vor.u32 v3, v4  }
0x25a: {  	v4 =	vperm.xlane v3, v0;
	_ =	sdelay $0x1  }
0x25b: {  	v3 =	vperm.xlane v3, v2;
	v4 =	vadd.s32 v1, v4;
	_ =	sdelay $0x1  }
0x25c: {  	v3 =	vadd.s32 v1, v3;
	_ =	sdelay $0x2  }
0x25d: {  	[tilespmem:s21], [sflag:$0x1] =	stream.indirect_vreg.gather [hbm4b:s3+s2], $0x80, v4, vm0, $0xb8;
	[tilespmem:$0x1E400] =	vst v63  }
0x25e: {  	_ = 	snop  }
0x25f: {  	[tilespmem:s22], [sflag:$0x1] =	stream.indirect_vreg.gather [hbm4b:s3+s2], $0x80, v3, vm0, $0xb8;
	[tilespmem:$0x1E400] =	vst v63  }
0x260: {  	v3 =	vld [tilespmem:$0x20];
	_ =	sdelay $0x4  }
0x261: {  	v58 =	vshll.u32 v3, $0x1  }
0x262: {  	v3 =	vand.u32 $0x7, v3;
	v4 =	vand.u32 $0xFFFFFFF0, v58  }
0x263: {  	v3 =	vor.u32 v3, v4  }
0x264: {  	v4 =	vperm.xlane v3, v0;
	_ =	sdelay $0x1  }
0x265: {  	v3 =	vperm.xlane v3, v2;
	v4 =	vadd.s32 v1, v4;
	_ =	sdelay $0x1  }
0x266: {  	v3 =	vadd.s32 v1, v3;
	_ =	sdelay $0x2  }
0x267: {  	[tilespmem:s23], [sflag:$0x1] =	stream.indirect_vreg.gather [hbm4b:s3+s2], $0x80, v4, vm0, $0xb8;
	[tilespmem:$0x1E400] =	vst v63  }
0x268: {  	_ = 	snop  }
0x269: {  	[tilespmem:s24], [sflag:$0x1] =	stream.indirect_vreg.gather [hbm4b:s3+s2], $0x80, v3, vm0, $0xb8;
	[tilespmem:$0x1E400] =	vst v63  }
0x26a: {  	v3 =	vld [tilespmem:$0x30];
	_ =	sdelay $0x4  }
0x26b: {  	v59 =	vshll.u32 v3, $0x1  }
0x26c: {  	v3 =	vand.u32 $0x7, v3;
	v4 =	vand.u32 $0xFFFFFFF0, v59  }
0x26d: {  	v3 =	vor.u32 v3, v4  }
0x26e: {  	v4 =	vperm.xlane v3, v0;
	_ =	sdelay $0x1  }
0x26f: {  	v3 =	vperm.xlane v3, v2;
	v4 =	vadd.s32 v1, v4;
	_ =	sdelay $0x1  }
0x270: {  	v3 =	vadd.s32 v1, v3;
	_ =	sdelay $0x2  }
0x271: {  	[tilespmem:s25], [sflag:$0x1] =	stream.indirect_vreg.gather [hbm4b:s3+s2], $0x80, v4, vm0, $0xb8;
	[tilespmem:$0x1E400] =	vst v63  }
0x272: {  	_ = 	snop  }
0x273: {  	[tilespmem:s26], [sflag:$0x1] =	stream.indirect_vreg.gather [hbm4b:s3+s2], $0x80, v3, vm0, $0xb8;
	[tilespmem:$0x1E400] =	vst v63  }
0x274: {  	v3 =	vld [tilespmem:$0x80];
	_ =	sdelay $0x4  }
0x275: {  	v60 =	vshll.u32 v3, $0x1  }
0x276: {  	v3 =	vand.u32 $0x7, v3;
	v4 =	vand.u32 $0xFFFFFFF0, v60  }
0x277: {  	v3 =	vor.u32 v3, v4  }
0x278: {  	v4 =	vperm.xlane v3, v0;
	_ =	sdelay $0x1  }
0x279: {  	v3 =	vperm.xlane v3, v2;
	v4 =	vadd.s32 v1, v4;
	_ =	sdelay $0x1  }
0x27a: {  	v3 =	vadd.s32 v1, v3;
	_ =	sdelay $0x2  }
0x27b: {  	[tilespmem:s28], [sflag:$0x2] =	stream.indirect_vreg.gather [hbm4b:s3+s2], $0x80, v4, vm0, $0xb8;
	[tilespmem:$0x1E400] =	vst v63  }
0x27c: {  	_ = 	snop  }
0x27d: {  	[tilespmem:s29], [sflag:$0x2] =	stream.indirect_vreg.gather [hbm4b:s3+s2], $0x80, v3, vm0, $0xb8;
	[tilespmem:$0x1E400] =	vst v63  }
0x27e: {  	v3 =	vld [tilespmem:$0x90];
	_ =	sdelay $0x4  }
0x27f: {  	v61 =	vshll.u32 v3, $0x1  }
0x280: {  	v3 =	vand.u32 $0x7, v3;
	v4 =	vand.u32 $0xFFFFFFF0, v61  }
0x281: {  	v3 =	vor.u32 v3, v4  }
0x282: {  	v4 =	vperm.xlane v3, v0;
	_ =	sdelay $0x1  }
0x283: {  	v3 =	vperm.xlane v3, v2;
	v4 =	vadd.s32 v1, v4;
	_ =	sdelay $0x1  }
0x284: {  	v3 =	vadd.s32 v1, v3;
	_ =	sdelay $0x2  }
0x285: {  	[tilespmem:s30], [sflag:$0x2] =	stream.indirect_vreg.gather [hbm4b:s3+s2], $0x80, v4, vm0, $0xb8;
	[tilespmem:$0x1E400] =	vst v63  }
0x286: {  	_ = 	snop  }
0x287: {  	[tilespmem:s31], [sflag:$0x2] =	stream.indirect_vreg.gather [hbm4b:s3+s2], $0x80, v3, vm0, $0xb8;
	[tilespmem:$0x1E400] =	vst v63  }
0x288: {  	v3 =	vld [tilespmem:$0xA0];
	_ =	sdelay $0x4  }
0x289: {  	v62 =	vshll.u32 v3, $0x1  }
0x28a: {  	v3 =	vand.u32 $0x7, v3;
	v4 =	vand.u32 $0xFFFFFFF0, v62  }
0x28b: {  	v3 =	vor.u32 v3, v4  }
0x28c: {  	v4 =	vperm.xlane v3, v0;
	_ =	sdelay $0x1  }
0x28d: {  	v3 =	vperm.xlane v3, v2;
	v4 =	vadd.s32 v1, v4;
	_ =	sdelay $0x1  }
0x28e: {  	v3 =	vadd.s32 v1, v3;
	_ =	sdelay $0x2  }
0x28f: {  	[tilespmem:s0], [sflag:$0x2] =	stream.indirect_vreg.gather [hbm4b:s3+s2], $0x80, v4, vm0, $0xb8;
	[tilespmem:$0x1E400] =	vst v63  }
0x290: {  	_ = 	snop  }
0x291: {  	[tilespmem:s1], [sflag:$0x2] =	stream.indirect_vreg.gather [hbm4b:s3+s2], $0x80, v3, vm0, $0xb8;
	[tilespmem:$0x1E400] =	vst v63  }
0x292: {  	v3 =	vld [tilespmem:$0xB0];
	_ =	sdelay $0x4  }
0x293: {  	v63 =	vshll.u32 v3, $0x1  }
0x294: {  	v3 =	vand.u32 $0x7, v3;
	v4 =	vand.u32 $0xFFFFFFF0, v63  }
0x295: {  	v3 =	vor.u32 v3, v4  }
0x296: {  	v4 =	vperm.xlane v3, v0;
	_ =	sdelay $0x1  }
0x297: {  	v3 =	vperm.xlane v3, v2;
	v4 =	vadd.s32 v1, v4;
	_ =	sdelay $0x1  }
0x298: {  	v3 =	vadd.s32 v1, v3;
	_ =	sdelay $0x2  }
0x299: {  	[tilespmem:s4], [sflag:$0x2] =	stream.indirect_vreg.gather [hbm4b:s3+s2], $0x80, v4, vm0, $0xb8;
	[tilespmem:$0x1E400] =	vst v63  }
0x29a: {  	_ = 	snop  }
0x29b: {  	[tilespmem:s6], [sflag:$0x2] =	stream.indirect_vreg.gather [hbm4b:s3+s2], $0x80, v3, vm0, $0xb8;
	[tilespmem:$0x1E400] =	vst v63  }
0x29c: {  	_ =	swait.ge [sflag:s7], $0x4000  }
0x29d: {  	[sflag:s7] =	ssyncset.done $0x0  }
0x29e: {  	s10 =	simm.s32 $0x6C0;
	[sflag:s7] =	ssyncadd.s32 $0xFFFFC000  }
.LBB2_8:
0x29f: {  	s11 =	sshra.s32 s10, $0x2  }
0x2a0: {  	v3 =	vld [tilespmem:s11+$0xFFFFFF50];
	_ =	sdelay $0x4  }
0x2a1: {  	v4 =	vshll.u32 v3, $0x1  }
0x2a2: {  	v3 =	vand.u32 $0x7, v3;
	v4 =	vand.u32 $0xFFFFFFF0, v4  }
0x2a3: {  	v3 =	vor.u32 v3, v4  }
0x2a4: {  	v4 =	vperm.xlane v3, v0;
	_ =	sdelay $0x1  }
0x2a5: {  	v3 =	vperm.xlane v3, v2;
	v4 =	vadd.s32 v1, v4;
	_ =	sdelay $0x1  }
0x2a6: {  	v3 =	vadd.s32 v1, v3;
	_ =	sdelay $0x2  }
0x2a7: {  	[tilespmem:s19], [sflag:$0x1] =	stream.indirect_vreg.gather [hbm4b:s3+s2], $0x80, v4, vm0, $0xb8;
	[tilespmem:$0x1E400] =	vst v63  }
0x2a8: {  	_ = 	snop  }
0x2a9: {  	[tilespmem:s20], [sflag:$0x1] =	stream.indirect_vreg.gather [hbm4b:s3+s2], $0x80, v3, vm0, $0xb8;
	[tilespmem:$0x1E400] =	vst v63  }
0x2aa: {  	v3 =	vld [tilespmem:s11+$0xFFFFFF60];
	_ =	sdelay $0x4  }
0x2ab: {  	v57 =	vshll.u32 v3, $0x1  }
0x2ac: {  	v3 =	vand.u32 $0x7, v3;
	v4 =	vand.u32 $0xFFFFFFF0, v57  }
0x2ad: {  	v3 =	vor.u32 v3, v4  }
0x2ae: {  	v4 =	vperm.xlane v3, v0;
	_ =	sdelay $0x1  }
0x2af: {  	v3 =	vperm.xlane v3, v2;
	v4 =	vadd.s32 v1, v4;
	_ =	sdelay $0x1  }
0x2b0: {  	v3 =	vadd.s32 v1, v3;
	_ =	sdelay $0x2  }
0x2b1: {  	[tilespmem:s21], [sflag:$0x1] =	stream.indirect_vreg.gather [hbm4b:s3+s2], $0x80, v4, vm0, $0xb8;
	[tilespmem:$0x1E400] =	vst v63  }
0x2b2: {  	_ = 	snop  }
0x2b3: {  	[tilespmem:s22], [sflag:$0x1] =	stream.indirect_vreg.gather [hbm4b:s3+s2], $0x80, v3, vm0, $0xb8;
	[tilespmem:$0x1E400] =	vst v63  }
0x2b4: {  	v3 =	vld [tilespmem:s11+$0xFFFFFF70];
	_ =	sdelay $0x4  }
0x2b5: {  	v58 =	vshll.u32 v3, $0x1  }
0x2b6: {  	v3 =	vand.u32 $0x7, v3;
	v4 =	vand.u32 $0xFFFFFFF0, v58  }
0x2b7: {  	v3 =	vor.u32 v3, v4  }
0x2b8: {  	v4 =	vperm.xlane v3, v0;
	_ =	sdelay $0x1  }
0x2b9: {  	v3 =	vperm.xlane v3, v2;
	v4 =	vadd.s32 v1, v4;
	_ =	sdelay $0x1  }
0x2ba: {  	v3 =	vadd.s32 v1, v3;
	_ =	sdelay $0x2  }
0x2bb: {  	[tilespmem:s23], [sflag:$0x1] =	stream.indirect_vreg.gather [hbm4b:s3+s2], $0x80, v4, vm0, $0xb8;
	[tilespmem:$0x1E400] =	vst v63  }
0x2bc: {  	_ = 	snop  }
0x2bd: {  	[tilespmem:s24], [sflag:$0x1] =	stream.indirect_vreg.gather [hbm4b:s3+s2], $0x80, v3, vm0, $0xb8;
	[tilespmem:$0x1E400] =	vst v63  }
0x2be: {  	v3 =	vld [tilespmem:s11+$0xFFFFFF80];
	_ =	sdelay $0x4  }
0x2bf: {  	v59 =	vshll.u32 v3, $0x1  }
0x2c0: {  	v3 =	vand.u32 $0x7, v3;
	v4 =	vand.u32 $0xFFFFFFF0, v59  }
0x2c1: {  	v3 =	vor.u32 v3, v4  }
0x2c2: {  	v4 =	vperm.xlane v3, v0;
	_ =	sdelay $0x1  }
0x2c3: {  	v3 =	vperm.xlane v3, v2;
	v4 =	vadd.s32 v1, v4;
	_ =	sdelay $0x1  }
0x2c4: {  	v3 =	vadd.s32 v1, v3;
	_ =	sdelay $0x2  }
0x2c5: {  	[tilespmem:s25], [sflag:$0x1] =	stream.indirect_vreg.gather [hbm4b:s3+s2], $0x80, v4, vm0, $0xb8;
	[tilespmem:$0x1E400] =	vst v63  }
0x2c6: {  	_ = 	snop  }
0x2c7: {  	[tilespmem:s26], [sflag:$0x1] =	stream.indirect_vreg.gather [hbm4b:s3+s2], $0x80, v3, vm0, $0xb8;
	[tilespmem:$0x1E400] =	vst v63  }
0x2c8: {  	_ =	swait.ge [sflag:s8], $0x4000  }
0x2c9: {  	[sflag:s8] =	ssyncset.done $0x0  }
0x2ca: {  	[sflag:s8] =	ssyncadd.s32 $0xFFFFC000  }
0x2cb: {  	v3 =	vld [tilespmem:s11+$0xFFFFFFD0];
	_ =	sdelay $0x4  }
0x2cc: {  	v60 =	vshll.u32 v3, $0x1  }
0x2cd: {  	v3 =	vand.u32 $0x7, v3;
	v4 =	vand.u32 $0xFFFFFFF0, v60  }
0x2ce: {  	v3 =	vor.u32 v3, v4  }
0x2cf: {  	v4 =	vperm.xlane v3, v0;
	_ =	sdelay $0x1  }
0x2d0: {  	v3 =	vperm.xlane v3, v2;
	v4 =	vadd.s32 v1, v4;
	_ =	sdelay $0x1  }
0x2d1: {  	v3 =	vadd.s32 v1, v3;
	_ =	sdelay $0x2  }
0x2d2: {  	[tilespmem:s28], [sflag:$0x2] =	stream.indirect_vreg.gather [hbm4b:s3+s2], $0x80, v4, vm0, $0xb8;
	[tilespmem:$0x1E400] =	vst v63  }
0x2d3: {  	_ = 	snop  }
0x2d4: {  	[tilespmem:s29], [sflag:$0x2] =	stream.indirect_vreg.gather [hbm4b:s3+s2], $0x80, v3, vm0, $0xb8;
	[tilespmem:$0x1E400] =	vst v63  }
0x2d5: {  	v3 =	vld [tilespmem:s11+$0xFFFFFFE0];
	_ =	sdelay $0x4  }
0x2d6: {  	v61 =	vshll.u32 v3, $0x1  }
0x2d7: {  	v3 =	vand.u32 $0x7, v3;
	v4 =	vand.u32 $0xFFFFFFF0, v61  }
0x2d8: {  	v3 =	vor.u32 v3, v4  }
0x2d9: {  	v4 =	vperm.xlane v3, v0;
	_ =	sdelay $0x1  }
0x2da: {  	v3 =	vperm.xlane v3, v2;
	v4 =	vadd.s32 v1, v4;
	_ =	sdelay $0x1  }
0x2db: {  	v3 =	vadd.s32 v1, v3;
	_ =	sdelay $0x2  }
0x2dc: {  	[tilespmem:s30], [sflag:$0x2] =	stream.indirect_vreg.gather [hbm4b:s3+s2], $0x80, v4, vm0, $0xb8;
	[tilespmem:$0x1E400] =	vst v63  }
0x2dd: {  	_ = 	snop  }
0x2de: {  	[tilespmem:s31], [sflag:$0x2] =	stream.indirect_vreg.gather [hbm4b:s3+s2], $0x80, v3, vm0, $0xb8;
	[tilespmem:$0x1E400] =	vst v63  }
0x2df: {  	v3 =	vld [tilespmem:s11+$0xFFFFFFF0];
	_ =	sdelay $0x4  }
0x2e0: {  	v62 =	vshll.u32 v3, $0x1  }
0x2e1: {  	v3 =	vand.u32 $0x7, v3;
	v4 =	vand.u32 $0xFFFFFFF0, v62  }
0x2e2: {  	v3 =	vor.u32 v3, v4  }
0x2e3: {  	v4 =	vperm.xlane v3, v0;
	_ =	sdelay $0x1  }
0x2e4: {  	v3 =	vperm.xlane v3, v2;
	v4 =	vadd.s32 v1, v4;
	_ =	sdelay $0x1  }
0x2e5: {  	v3 =	vadd.s32 v1, v3;
	_ =	sdelay $0x2  }
0x2e6: {  	[tilespmem:s0], [sflag:$0x2] =	stream.indirect_vreg.gather [hbm4b:s3+s2], $0x80, v4, vm0, $0xb8;
	[tilespmem:$0x1E400] =	vst v63  }
0x2e7: {  	_ = 	snop  }
0x2e8: {  	[tilespmem:s1], [sflag:$0x2] =	stream.indirect_vreg.gather [hbm4b:s3+s2], $0x80, v3, vm0, $0xb8;
	[tilespmem:$0x1E400] =	vst v63  }
0x2e9: {  	v3 =	vld [tilespmem:s11+$0x0];
	_ =	sdelay $0x4  }
0x2ea: {  	v63 =	vshll.u32 v3, $0x1  }
0x2eb: {  	v3 =	vand.u32 $0x7, v3;
	v4 =	vand.u32 $0xFFFFFFF0, v63  }
0x2ec: {  	v3 =	vor.u32 v3, v4  }
0x2ed: {  	v4 =	vperm.xlane v3, v0;
	_ =	sdelay $0x1  }
0x2ee: {  	v3 =	vperm.xlane v3, v2;
	v4 =	vadd.s32 v1, v4;
	_ =	sdelay $0x1  }
0x2ef: {  	v3 =	vadd.s32 v1, v3;
	_ =	sdelay $0x1  }
0x2f0: {  	p0 =	sne.s32 s10, $0x4EC0  }
0x2f1: {  	[tilespmem:s4], [sflag:$0x2] =	stream.indirect_vreg.gather [hbm4b:s3+s2], $0x80, v4, vm0, $0xb8;
	[tilespmem:$0x1E400] =	vst v63  }
.Ltmp3:
0x2f2: {  	_ = 	snop;
	(pc) =	sbr.rel @p0 .LBB2_8-.Ltmp3, $4  }
0x2f3: {  	[tilespmem:s6], [sflag:$0x2] =	stream.indirect_vreg.gather [hbm4b:s3+s2], $0x80, v3, vm0, $0xb8;
	[tilespmem:$0x1E400] =	vst v63  }
0x2f4: {  	_ =	swait.ge [sflag:s7], $0x4000  }
0x2f5: {  	[sflag:s7] =	ssyncset.done $0x0  }
0x2f6: {  	s10 =	sadd.s32 $0x400, s10;
	[sflag:s7] =	ssyncadd.s32 $0xFFFFC000  }
0x2f7: {  	_ =	swait.ge [sflag:s8], $0x4000  }
0x2f8: {  	s9 =	sadd.s32 $0x1, s9;
	[sflag:s8] =	ssyncset.done $0x0  }
0x2f9: {  	p0 =	sne.s32 s9, s15;
	[sflag:s8] =	ssyncadd.s32 $0xFFFFC000  }
.Ltmp4:
0x2fa: {  	[bflag:$0x0] =	sbarrier.arrive $0xFFFF;
	(pc) =	sbr.rel @p0 .LBB2_1-.Ltmp4, $4  }
0x2fb: {  	[hbm:s14], [sflag:s5] =	dma.local [spmem:s16], $0x2780  }
0x2fc: {  	_ =	swait.ge [sflag:s17], $0x2780  }
0x2fd: {  	[sflag:s17] =	ssyncset.done $0x0  }
0x2fe: {  	[sflag:s17] =	ssyncadd.s32 $0xFFFFD880  }
0x2ff: {  	_ =	sfence.sel $0x180000  }
0x300: {  	[bflag:$0x0] =	sbarrier.arrive $0xFFFF  }
0x301: {  	_ =	strace $0x90000047  }
0x302: {  	s0 =	stileid.u32;
	[bflag:$0x2] =	sbarrier.arrive $0xFFFF  }
0x303: {  	p0 =	sne.s32 s0, $0x0;
	s0 =	rddreg [dreg:$0x3]  }
0x304: {  	s0 =	sadd.s32 @!p0 $0x100000, s0  }
0x305: {  	[sflag:s0] =	ssyncadd.tile.s32 @!p0 $0x1;
	_ =	shalt  }
.Lfunc_end2:
_tile_overlayer_lowered:
.L_overlay_start_2:
0x306: {  	(tag) =	ssettag $0x2  }
0x307: {  	s0 =	rddreg [dreg:$0x0];
	s2 =	stileid.u32  }
0x308: {  	s1 =	rddreg [dreg:$0x1];
	p0 =	sne.s32 s2, $0x0  }
0x309: {  	s3 =	rddreg [dreg:$0x2];
	[bflag:$0x3] =	sbarrier.arrive $0xFFFF;
	s2 =	simm.s32 @!p0 $0x1C03  }
0x30a: {  	[timem:s3], [sflag:s2] =	dma.local @!p0 [hbm:s0], s1  }
0x30b: {  	s0 =	simm.s32 @!p0 $0x3  }
0x30c: {  	_ =	swait.ge @!p0 [sflag:s0], s1  }
0x30d: {  	s1 =	ssub.s32 @!p0 $0x0, s1;
	[sflag:s0] =	ssyncset.done @!p0 $0x0  }
0x30e: {  	[sflag:s0] =	ssyncadd.s32 @!p0 s1  }
0x30f: {  	[bflag:$0x3] =	sbarrier.arrive $0xFFFF  }
0x310: {  	_ =	shalt  }

</sc_bundles>
